<compile_context>
chip_gen: v7x
topology: tpu7x:2x2x1
jax: 0.10.2.dev20260603
libtpu: 0.0.44.dev20260713+nightly
codegen_flags: <defaults>
</compile_context>

<pallas_src>
import functools

import jax
import jax.numpy as jnp
from jax import lax
from jax.experimental import pallas as pl
from jax.experimental.pallas import tpu as pltpu
from jax.experimental.pallas import tpu_sc as plsc

B, C, N = 8, 64, 16384
P, S = 2048, 32
NW = 32
WPB = NW // B
CPW = C // WPB
CBLK = 4
NSWEEP = CPW // CBLK
PCH = 128
NCH = P // PCH
T = NSWEEP * NCH
PPS = NCH // 2

_mesh = plsc.VectorSubcoreMesh(core_axis_name="c", subcore_axis_name="s")


@functools.partial(
    pl.kernel,
    mesh=_mesh,
    out_type=jax.ShapeDtypeStruct((B, C, S, P), jnp.float32),
    scratch_types=[
        pltpu.VMEM((CBLK, N), jnp.float32),
        pltpu.VMEM((2, S, PCH), jnp.int32),
        pltpu.VMEM((2, CBLK, S, PCH), jnp.float32),
        pltpu.SemaphoreType.DMA((2,)),
        pltpu.SemaphoreType.DMA((2,)),
        pltpu.SemaphoreType.DMA,
    ],
    compiler_params=pltpu.CompilerParams(needs_layout_passes=False),
)
def _group_sc(feat_hbm, idx_hbm, out_hbm, feat_v, idx_v, out_v,
              isem, osem, fsem):
    cid = lax.axis_index("c")
    sid = lax.axis_index("s")
    w = sid * 2 + cid
    b = w // WPB
    c0 = (w % WPB) * CPW

    def idx_copy(t, buf):
        p0 = lax.rem(t, NCH) * PCH
        return pltpu.make_async_copy(
            idx_hbm.at[b, :, pl.ds(p0, PCH)], idx_v.at[buf], isem.at[buf])

    def out_copy(t, buf):
        cbase = c0 + (t // NCH) * CBLK
        p0 = lax.rem(t, NCH) * PCH
        return pltpu.make_async_copy(
            out_v.at[buf],
            out_hbm.at[b, pl.ds(cbase, CBLK), :, pl.ds(p0, PCH)],
            osem.at[buf])

    def feat_copy(sweep):
        cbase = c0 + sweep * CBLK
        return pltpu.make_async_copy(
            feat_hbm.at[b, pl.ds(cbase, CBLK), :], feat_v, fsem)

    ccv = [jnp.full((16,), cc, jnp.int32) for cc in range(CBLK)]

    def do_chunk(tp, t, buf, feat_boundary):
        idx_copy(t, buf).wait()
        @pl.when(t + 1 < T)
        def _():
            idx_copy(t + 1, 1 - buf).start()
        @pl.when(tp > 0)
        def _():
            out_copy(t - 2, buf).wait()
        if feat_boundary:
            @pl.when(lax.rem(tp, PPS) == 0)
            def _():
                feat_copy(0).wait()

        @plsc.parallel_loop(0, (PCH // 16) * S, unroll=8)
        def _gather(i):
            pg = lax.shift_right_logical(i, 5)
            s = lax.bitwise_and(i, S - 1)
            pbase = pg * 16
            iv = idx_v[buf, s, pl.ds(pbase, 16)]
            for cc in range(CBLK):
                out_v[buf, cc, s, pl.ds(pbase, 16)] = plsc.load_gather(
                    feat_v, [ccv[cc], iv])

        out_copy(t, buf).start()

    idx_copy(0, 0).start()

    def pair(tp, _):
        @pl.when(lax.rem(tp, PPS) == 0)
        def _():
            feat_copy(tp // PPS).start()

        do_chunk(tp, 2 * tp, 0, True)
        do_chunk(tp, 2 * tp + 1, 1, False)
        return 0

    lax.fori_loop(0, T // 2, pair, 0)

    out_copy(T - 2, 0).wait()
    out_copy(T - 1, 1).wait()


def kernel(features, idx):
    idx_t = jnp.transpose(idx.astype(jnp.int32), (0, 2, 1))
    out = _group_sc(features, idx_t)
    return jnp.transpose(out, (0, 1, 3, 2))

# --- scband reference (transcript-rebuilt; emitter-appended) ---
"""Pipeline reference for scband-my-model-49933289783663 (READ-ONLY COPY).

The authoritative reference and input builder live on the scoring server;
editing this copy changes nothing except your own understanding.
"""

import jax, jax.numpy as jnp
import numpy as np


def setup_inputs(seed: int = 0) -> dict:
    key = jax.random.key(seed)
    k1, k2 = jax.random.split(key)
    features = jax.random.normal(k1, (8, 64, 16384), dtype=jnp.float32)
    idx = jax.random.randint(k2, (8, 2048, 32), 0, 16384, dtype=jnp.int64)
    return {"features": features, "idx": idx}


def reference(features, idx):
    # features: (B, C, N), idx: (B, npoint, nsample) -> (B, C, npoint, nsample)
    # out[b, c, p, s] = features[b, c, idx[b, p, s]]
    def group_one(f, i):
        # f: (C, N), i: (npoint, nsample) -> (C, npoint, nsample)
        return f[:, i]
    return jax.vmap(group_one)(features, idx)

if __name__ == "__main__":
    import jax
    _d = setup_inputs()
    print(jax.jit(kernel)(*tuple(_d.values())))

</pallas_src>

<mosaic_0001>
#map = affine_map<(d0, d1) -> (0, 0, 0)>
#map1 = affine_map<(d0, d1) -> (0, 0, 0, 0)>
module attributes {stable_mosaic.version = 14 : i64} {
  func.func @_group_sc(%arg0: i32, %arg1: i32, %arg2: memref<8x64x16384xf32, #tpu.memory_space<hbm>>, %arg3: memref<8x32x2048xi32, #tpu.memory_space<hbm>>, %arg4: memref<8x64x32x2048xf32, #tpu.memory_space<hbm>>, %arg5: memref<4x16384xf32, #tpu.memory_space<vmem>>, %arg6: memref<2x32x128xi32, #tpu.memory_space<vmem>>, %arg7: memref<2x4x32x128xf32, #tpu.memory_space<vmem>>, %arg8: memref<2x!tpu.dma_semaphore, #tpu.memory_space<semaphore_mem>>, %arg9: memref<2x!tpu.dma_semaphore, #tpu.memory_space<semaphore_mem>>, %arg10: memref<!tpu.dma_semaphore, #tpu.memory_space<semaphore_mem>>) attributes {dimension_semantics = [#tpu.dimension_semantics<core_parallel>, #tpu.dimension_semantics<subcore_parallel>], iteration_bounds = array<i64: 2, 16>, scalar_prefetch = 0 : i64, scratch_operands = 6 : i64, tpu.core_type = #tpu.core_type<sc_vector_subcore>, window_params = [{transform_indices = #map}, {transform_indices = #map}, {transform_indices = #map1}]} {
    %mul3A = arith.constant 2 : i32
    %mul3A_0 = arith.muli %arg1, %mul3A : i32
    %add3A = arith.addi %mul3A_0, %arg0 : i32
    %jit3A = arith.constant 4 : i32
    %div3A = arith.divsi %add3A, %jit3A : i32
    %sign3A = arith.constant 0 : i32
    %sign3A_1 = arith.cmpi sgt, %add3A, %sign3A : i32
    %sign3A_2 = arith.extui %sign3A_1 : i1 to i32
    %sign3A_3 = arith.constant 0 : i32
    %sign3A_4 = arith.cmpi slt, %add3A, %sign3A_3 : i32
    %sign3A_5 = arith.extui %sign3A_4 : i1 to i32
    %sign3A_6 = arith.subi %sign3A_2, %sign3A_5 : i32
    %sign3A_7 = arith.constant 0 : i32
    %sign3A_8 = arith.cmpi sgt, %jit3A, %sign3A_7 : i32
    %sign3A_9 = arith.extui %sign3A_8 : i1 to i32
    %sign3A_10 = arith.constant 0 : i32
    %sign3A_11 = arith.cmpi slt, %jit3A, %sign3A_10 : i32
    %sign3A_12 = arith.extui %sign3A_11 : i1 to i32
    %sign3A_13 = arith.subi %sign3A_9, %sign3A_12 : i32
    %ne3A = arith.cmpi ne, %sign3A_6, %sign3A_13 : i32
    %rem3A = arith.remsi %add3A, %jit3A : i32
    %ne3A_14 = arith.constant 0 : i32
    %ne3A_15 = arith.cmpi ne, %rem3A, %ne3A_14 : i32
    %and3A = arith.andi %ne3A, %ne3A_15 : i1
    %sub3A = arith.constant 1 : i32
    %sub3A_16 = arith.subi %div3A, %sub3A : i32
    %select_n3A = arith.select %and3A, %sub3A_16, %div3A : i32
    %jit3A_17 = arith.constant 4 : i32
    %eq3A = arith.constant 0 : i32
    %eq3A_18 = arith.cmpi eq, %jit3A_17, %eq3A : i32
    %jit3A_19 = arith.constant 1 : i32
    %select_n3A_20 = arith.select %eq3A_18, %jit3A_19, %jit3A_17 : i32
    %rem3A_21 = arith.remsi %add3A, %select_n3A_20 : i32
    %ne3A_22 = arith.constant 0 : i32
    %ne3A_23 = arith.cmpi ne, %rem3A_21, %ne3A_22 : i32
    %lt3A = arith.constant 0 : i32
    %lt3A_24 = arith.cmpi slt, %rem3A_21, %lt3A : i32
    %lt3A_25 = arith.constant 0 : i32
    %lt3A_26 = arith.cmpi slt, %select_n3A_20, %lt3A_25 : i32
    %ne3A_27 = arith.xori %lt3A_24, %lt3A_26 : i1
    %and3A_28 = arith.andi %ne3A_27, %ne3A_23 : i1
    %add3A_29 = arith.addi %rem3A_21, %select_n3A_20 : i32
    %select_n3A_30 = arith.select %and3A_28, %add3A_29, %rem3A_21 : i32
    %mul3A_31 = arith.constant 16 : i32
    %mul3A_32 = arith.muli %select_n3A_30, %mul3A_31 : i32
    %broadcast_in_dim3A = arith.constant 0 : i32
    %broadcast_in_dim3A_33 = vector.broadcast %broadcast_in_dim3A : i32 to vector<16xi32>
    %broadcast_in_dim3A_34 = arith.constant 1 : i32
    %broadcast_in_dim3A_35 = vector.broadcast %broadcast_in_dim3A_34 : i32 to vector<16xi32>
    %broadcast_in_dim3A_36 = arith.constant 2 : i32
    %broadcast_in_dim3A_37 = vector.broadcast %broadcast_in_dim3A_36 : i32 to vector<16xi32>
    %broadcast_in_dim3A_38 = arith.constant 3 : i32
    %broadcast_in_dim3A_39 = vector.broadcast %broadcast_in_dim3A_38 : i32 to vector<16xi32>
    %rem3A_40 = arith.constant 0 : i32
    %rem3A_41 = arith.constant 16 : i32
    %rem3A_42 = arith.remsi %rem3A_40, %rem3A_41 : i32
    %mul3A_43 = arith.constant 128 : i32
    %mul3A_44 = arith.muli %rem3A_42, %mul3A_43 : i32
    %dma_start3A = arith.constant 0 : i32
    %dma_start3A_45 = arith.constant 0 : i32
    %dma_start3A_46 = arith.constant 0 : i32
    %dma_start3A_47 = arith.constant 0 : i32
    %dma_start3A_48 = tpu.memref_slice %arg6[%dma_start3A, %dma_start3A_46, %dma_start3A_47] : memref<2x32x128xi32, #tpu.memory_space<vmem>> -> memref<1x32x128xi32, #tpu.memory_space<vmem>>
    %dma_start3A_49 = tpu.memref_squeeze %dma_start3A_48 : memref<1x32x128xi32, #tpu.memory_space<vmem>> -> memref<32x128xi32, #tpu.memory_space<vmem>>
    %dma_start3A_50 = arith.constant 0 : i32
    %dma_start3A_51 = tpu.memref_slice %arg3[%select_n3A, %dma_start3A_50, %mul3A_44] : memref<8x32x2048xi32, #tpu.memory_space<hbm>> -> memref<1x32x128xi32, #tpu.memory_space<hbm>>
    %dma_start3A_52 = tpu.memref_squeeze %dma_start3A_51 : memref<1x32x128xi32, #tpu.memory_space<hbm>> -> memref<32x128xi32, #tpu.memory_space<hbm>>
    %dma_start3A_53 = tpu.memref_slice %arg8[%dma_start3A_45] : memref<2x!tpu.dma_semaphore, #tpu.memory_space<semaphore_mem>> -> memref<1x!tpu.dma_semaphore, #tpu.memory_space<semaphore_mem>>
    %dma_start3A_54 = tpu.memref_squeeze %dma_start3A_53 : memref<1x!tpu.dma_semaphore, #tpu.memory_space<semaphore_mem>> -> memref<!tpu.dma_semaphore, #tpu.memory_space<semaphore_mem>>
    %dma_start3A_55 = arith.constant 0 : i32
    %dma_start3A_56 = arith.constant 0 : i32
    %dma_start3A_57 = tpu.memref_slice %arg6[%dma_start3A, %dma_start3A_55, %dma_start3A_56] : memref<2x32x128xi32, #tpu.memory_space<vmem>> -> memref<1x32x128xi32, #tpu.memory_space<vmem>>
    %dma_start3A_58 = tpu.memref_squeeze %dma_start3A_57 : memref<1x32x128xi32, #tpu.memory_space<vmem>> -> memref<32x128xi32, #tpu.memory_space<vmem>>
    %dma_start3A_59 = arith.constant 0 : i32
    %dma_start3A_60 = tpu.memref_slice %arg3[%select_n3A, %dma_start3A_59, %mul3A_44] : memref<8x32x2048xi32, #tpu.memory_space<hbm>> -> memref<1x32x128xi32, #tpu.memory_space<hbm>>
    %dma_start3A_61 = tpu.memref_squeeze %dma_start3A_60 : memref<1x32x128xi32, #tpu.memory_space<hbm>> -> memref<32x128xi32, #tpu.memory_space<hbm>>
    tpu.enqueue_dma source(%dma_start3A_61 : memref<32x128xi32, #tpu.memory_space<hbm>>) target(%dma_start3A_58 : memref<32x128xi32, #tpu.memory_space<vmem>>) target_semaphore(%dma_start3A_54 : memref<!tpu.dma_semaphore, #tpu.memory_space<semaphore_mem>>)
    %scan3A = arith.constant 0 : i32
    %scan3A_62 = arith.constant 0 : i32
    %scan3A_63 = arith.constant 32 : i32
    %scan3A_64 = arith.addi %scan3A_62, %scan3A_63 : i32
    %scan3A_65 = arith.constant 1 : i32
    %scan3A_66 = scf.for %scan3A_121 = %scan3A_62 to %scan3A_64 step %scan3A_65 iter_args(%scan3A_122 = %scan3A) -> (i32)  : i32 {
      %rem3A_123 = arith.constant 8 : i32
      %rem3A_124 = arith.remsi %scan3A_121, %rem3A_123 : i32
      %eq3A_125 = arith.constant 0 : i32
      %eq3A_126 = arith.cmpi eq, %rem3A_124, %eq3A_125 : i32
      %convert_element_type3A = arith.extui %eq3A_126 : i1 to i32
      %cond3A = arith.constant 0 : i32
      %cond3A_127 = arith.cmpi ne, %convert_element_type3A, %cond3A : i32
      scf.if %cond3A_127 {
        %jit3A_316 = arith.constant 8 : i32
        %div3A_317 = arith.divsi %scan3A_121, %jit3A_316 : i32
        %sign3A_318 = arith.constant 0 : i32
        %sign3A_319 = arith.cmpi sgt, %scan3A_121, %sign3A_318 : i32
        %sign3A_320 = arith.extui %sign3A_319 : i1 to i32
        %sign3A_321 = arith.constant 0 : i32
        %sign3A_322 = arith.cmpi slt, %scan3A_121, %sign3A_321 : i32
        %sign3A_323 = arith.extui %sign3A_322 : i1 to i32
        %sign3A_324 = arith.subi %sign3A_320, %sign3A_323 : i32
        %sign3A_325 = arith.constant 0 : i32
        %sign3A_326 = arith.cmpi sgt, %jit3A_316, %sign3A_325 : i32
        %sign3A_327 = arith.extui %sign3A_326 : i1 to i32
        %sign3A_328 = arith.constant 0 : i32
        %sign3A_329 = arith.cmpi slt, %jit3A_316, %sign3A_328 : i32
        %sign3A_330 = arith.extui %sign3A_329 : i1 to i32
        %sign3A_331 = arith.subi %sign3A_327, %sign3A_330 : i32
        %ne3A_332 = arith.cmpi ne, %sign3A_324, %sign3A_331 : i32
        %rem3A_333 = arith.remsi %scan3A_121, %jit3A_316 : i32
        %ne3A_334 = arith.constant 0 : i32
        %ne3A_335 = arith.cmpi ne, %rem3A_333, %ne3A_334 : i32
        %and3A_336 = arith.andi %ne3A_332, %ne3A_335 : i1
        %sub3A_337 = arith.constant 1 : i32
        %sub3A_338 = arith.subi %div3A_317, %sub3A_337 : i32
        %select_n3A_339 = arith.select %and3A_336, %sub3A_338, %div3A_317 : i32
        %mul3A_340 = arith.constant 4 : i32
        %mul3A_341 = arith.muli %select_n3A_339, %mul3A_340 : i32
        %add3A_342 = arith.addi %mul3A_32, %mul3A_341 : i32
        %dma_start3A_343 = arith.constant 0 : i32
        %dma_start3A_344 = tpu.memref_slice %arg2[%select_n3A, %add3A_342, %dma_start3A_343] : memref<8x64x16384xf32, #tpu.memory_space<hbm>> -> memref<1x4x16384xf32, #tpu.memory_space<hbm>>
        %dma_start3A_345 = tpu.memref_squeeze %dma_start3A_344 : memref<1x4x16384xf32, #tpu.memory_space<hbm>> -> memref<4x16384xf32, #tpu.memory_space<hbm>>
        %dma_start3A_346 = arith.constant 0 : i32
        %dma_start3A_347 = tpu.memref_slice %arg2[%select_n3A, %add3A_342, %dma_start3A_346] : memref<8x64x16384xf32, #tpu.memory_space<hbm>> -> memref<1x4x16384xf32, #tpu.memory_space<hbm>>
        %dma_start3A_348 = tpu.memref_squeeze %dma_start3A_347 : memref<1x4x16384xf32, #tpu.memory_space<hbm>> -> memref<4x16384xf32, #tpu.memory_space<hbm>>
        tpu.enqueue_dma source(%dma_start3A_348 : memref<4x16384xf32, #tpu.memory_space<hbm>>) target(%arg5 : memref<4x16384xf32, #tpu.memory_space<vmem>>) target_semaphore(%arg10 : memref<!tpu.dma_semaphore, #tpu.memory_space<semaphore_mem>>)
      } else {
      }
      %mul3A_128 = arith.constant 2 : i32
      %mul3A_129 = arith.muli %mul3A_128, %scan3A_121 : i32
      %rem3A_130 = arith.constant 16 : i32
      %rem3A_131 = arith.remsi %mul3A_129, %rem3A_130 : i32
      %mul3A_132 = arith.constant 128 : i32
      %mul3A_133 = arith.muli %rem3A_131, %mul3A_132 : i32
      %dma_wait3A_134 = arith.constant 0 : i32
      %dma_wait3A_135 = arith.constant 0 : i32
      %dma_wait3A_136 = arith.constant 0 : i32
      %dma_wait3A_137 = arith.constant 0 : i32
      %dma_wait3A_138 = tpu.memref_slice %arg6[%dma_wait3A_134, %dma_wait3A_136, %dma_wait3A_137] : memref<2x32x128xi32, #tpu.memory_space<vmem>> -> memref<1x32x128xi32, #tpu.memory_space<vmem>>
      %dma_wait3A_139 = tpu.memref_squeeze %dma_wait3A_138 : memref<1x32x128xi32, #tpu.memory_space<vmem>> -> memref<32x128xi32, #tpu.memory_space<vmem>>
      %dma_wait3A_140 = arith.constant 0 : i32
      %dma_wait3A_141 = tpu.memref_slice %arg3[%select_n3A, %dma_wait3A_140, %mul3A_133] : memref<8x32x2048xi32, #tpu.memory_space<hbm>> -> memref<1x32x128xi32, #tpu.memory_space<hbm>>
      %dma_wait3A_142 = tpu.memref_squeeze %dma_wait3A_141 : memref<1x32x128xi32, #tpu.memory_space<hbm>> -> memref<32x128xi32, #tpu.memory_space<hbm>>
      %dma_wait3A_143 = tpu.memref_slice %arg8[%dma_wait3A_135] : memref<2x!tpu.dma_semaphore, #tpu.memory_space<semaphore_mem>> -> memref<1x!tpu.dma_semaphore, #tpu.memory_space<semaphore_mem>>
      %dma_wait3A_144 = tpu.memref_squeeze %dma_wait3A_143 : memref<1x!tpu.dma_semaphore, #tpu.memory_space<semaphore_mem>> -> memref<!tpu.dma_semaphore, #tpu.memory_space<semaphore_mem>>
      %dma_wait3A_145 = arith.constant 0 : i32
      %dma_wait3A_146 = arith.constant 0 : i32
      %dma_wait3A_147 = tpu.memref_slice %arg6[%dma_wait3A_134, %dma_wait3A_145, %dma_wait3A_146] : memref<2x32x128xi32, #tpu.memory_space<vmem>> -> memref<1x32x128xi32, #tpu.memory_space<vmem>>
      %dma_wait3A_148 = tpu.memref_squeeze %dma_wait3A_147 : memref<1x32x128xi32, #tpu.memory_space<vmem>> -> memref<32x128xi32, #tpu.memory_space<vmem>>
      %dma_wait3A_149 = arith.constant 0 : i32
      %dma_wait3A_150 = tpu.memref_slice %arg3[%select_n3A, %dma_wait3A_149, %mul3A_133] : memref<8x32x2048xi32, #tpu.memory_space<hbm>> -> memref<1x32x128xi32, #tpu.memory_space<hbm>>
      %dma_wait3A_151 = tpu.memref_squeeze %dma_wait3A_150 : memref<1x32x128xi32, #tpu.memory_space<hbm>> -> memref<32x128xi32, #tpu.memory_space<hbm>>
      tpu.wait_dma2 semaphore(%dma_wait3A_144 : memref<!tpu.dma_semaphore, #tpu.memory_space<semaphore_mem>>) src(%dma_wait3A_151 : memref<32x128xi32, #tpu.memory_space<hbm>>) dst(%dma_wait3A_148 : memref<32x128xi32, #tpu.memory_space<vmem>>)
      %add3A_152 = arith.constant 1 : i32
      %add3A_153 = arith.addi %mul3A_129, %add3A_152 : i32
      %lt3A_154 = arith.constant 64 : i32
      %lt3A_155 = arith.cmpi slt, %add3A_153, %lt3A_154 : i32
      %convert_element_type3A_156 = arith.extui %lt3A_155 : i1 to i32
      %cond3A_157 = arith.constant 0 : i32
      %cond3A_158 = arith.cmpi ne, %convert_element_type3A_156, %cond3A_157 : i32
      scf.if %cond3A_158 {
        %add3A_316 = arith.constant 1 : i32
        %add3A_317 = arith.addi %mul3A_129, %add3A_316 : i32
        %rem3A_318 = arith.constant 16 : i32
        %rem3A_319 = arith.remsi %add3A_317, %rem3A_318 : i32
        %mul3A_320 = arith.constant 128 : i32
        %mul3A_321 = arith.muli %rem3A_319, %mul3A_320 : i32
        %dma_start3A_322 = arith.constant 1 : i32
        %dma_start3A_323 = arith.constant 1 : i32
        %dma_start3A_324 = arith.constant 0 : i32
        %dma_start3A_325 = arith.constant 0 : i32
        %dma_start3A_326 = tpu.memref_slice %arg6[%dma_start3A_322, %dma_start3A_324, %dma_start3A_325] : memref<2x32x128xi32, #tpu.memory_space<vmem>> -> memref<1x32x128xi32, #tpu.memory_space<vmem>>
        %dma_start3A_327 = tpu.memref_squeeze %dma_start3A_326 : memref<1x32x128xi32, #tpu.memory_space<vmem>> -> memref<32x128xi32, #tpu.memory_space<vmem>>
        %dma_start3A_328 = arith.constant 0 : i32
        %dma_start3A_329 = tpu.memref_slice %arg3[%select_n3A, %dma_start3A_328, %mul3A_321] : memref<8x32x2048xi32, #tpu.memory_space<hbm>> -> memref<1x32x128xi32, #tpu.memory_space<hbm>>
        %dma_start3A_330 = tpu.memref_squeeze %dma_start3A_329 : memref<1x32x128xi32, #tpu.memory_space<hbm>> -> memref<32x128xi32, #tpu.memory_space<hbm>>
        %dma_start3A_331 = tpu.memref_slice %arg8[%dma_start3A_323] : memref<2x!tpu.dma_semaphore, #tpu.memory_space<semaphore_mem>> -> memref<1x!tpu.dma_semaphore, #tpu.memory_space<semaphore_mem>>
        %dma_start3A_332 = tpu.memref_squeeze %dma_start3A_331 : memref<1x!tpu.dma_semaphore, #tpu.memory_space<semaphore_mem>> -> memref<!tpu.dma_semaphore, #tpu.memory_space<semaphore_mem>>
        %dma_start3A_333 = arith.constant 0 : i32
        %dma_start3A_334 = arith.constant 0 : i32
        %dma_start3A_335 = tpu.memref_slice %arg6[%dma_start3A_322, %dma_start3A_333, %dma_start3A_334] : memref<2x32x128xi32, #tpu.memory_space<vmem>> -> memref<1x32x128xi32, #tpu.memory_space<vmem>>
        %dma_start3A_336 = tpu.memref_squeeze %dma_start3A_335 : memref<1x32x128xi32, #tpu.memory_space<vmem>> -> memref<32x128xi32, #tpu.memory_space<vmem>>
        %dma_start3A_337 = arith.constant 0 : i32
        %dma_start3A_338 = tpu.memref_slice %arg3[%select_n3A, %dma_start3A_337, %mul3A_321] : memref<8x32x2048xi32, #tpu.memory_space<hbm>> -> memref<1x32x128xi32, #tpu.memory_space<hbm>>
        %dma_start3A_339 = tpu.memref_squeeze %dma_start3A_338 : memref<1x32x128xi32, #tpu.memory_space<hbm>> -> memref<32x128xi32, #tpu.memory_space<hbm>>
        tpu.enqueue_dma source(%dma_start3A_339 : memref<32x128xi32, #tpu.memory_space<hbm>>) target(%dma_start3A_336 : memref<32x128xi32, #tpu.memory_space<vmem>>) target_semaphore(%dma_start3A_332 : memref<!tpu.dma_semaphore, #tpu.memory_space<semaphore_mem>>)
      } else {
      }
      %gt3A = arith.constant 0 : i32
      %gt3A_159 = arith.cmpi sgt, %scan3A_121, %gt3A : i32
      %convert_element_type3A_160 = arith.extui %gt3A_159 : i1 to i32
      %cond3A_161 = arith.constant 0 : i32
      %cond3A_162 = arith.cmpi ne, %convert_element_type3A_160, %cond3A_161 : i32
      scf.if %cond3A_162 {
        %sub3A_316 = arith.constant 2 : i32
        %sub3A_317 = arith.subi %mul3A_129, %sub3A_316 : i32
        %jit3A_318 = arith.constant 16 : i32
        %div3A_319 = arith.divsi %sub3A_317, %jit3A_318 : i32
        %sign3A_320 = arith.constant 0 : i32
        %sign3A_321 = arith.cmpi sgt, %sub3A_317, %sign3A_320 : i32
        %sign3A_322 = arith.extui %sign3A_321 : i1 to i32
        %sign3A_323 = arith.constant 0 : i32
        %sign3A_324 = arith.cmpi slt, %sub3A_317, %sign3A_323 : i32
        %sign3A_325 = arith.extui %sign3A_324 : i1 to i32
        %sign3A_326 = arith.subi %sign3A_322, %sign3A_325 : i32
        %sign3A_327 = arith.constant 0 : i32
        %sign3A_328 = arith.cmpi sgt, %jit3A_318, %sign3A_327 : i32
        %sign3A_329 = arith.extui %sign3A_328 : i1 to i32
        %sign3A_330 = arith.constant 0 : i32
        %sign3A_331 = arith.cmpi slt, %jit3A_318, %sign3A_330 : i32
        %sign3A_332 = arith.extui %sign3A_331 : i1 to i32
        %sign3A_333 = arith.subi %sign3A_329, %sign3A_332 : i32
        %ne3A_334 = arith.cmpi ne, %sign3A_326, %sign3A_333 : i32
        %rem3A_335 = arith.remsi %sub3A_317, %jit3A_318 : i32
        %ne3A_336 = arith.constant 0 : i32
        %ne3A_337 = arith.cmpi ne, %rem3A_335, %ne3A_336 : i32
        %and3A_338 = arith.andi %ne3A_334, %ne3A_337 : i1
        %sub3A_339 = arith.constant 1 : i32
        %sub3A_340 = arith.subi %div3A_319, %sub3A_339 : i32
        %select_n3A_341 = arith.select %and3A_338, %sub3A_340, %div3A_319 : i32
        %mul3A_342 = arith.constant 4 : i32
        %mul3A_343 = arith.muli %select_n3A_341, %mul3A_342 : i32
        %add3A_344 = arith.addi %mul3A_32, %mul3A_343 : i32
        %rem3A_345 = arith.constant 16 : i32
        %rem3A_346 = arith.remsi %sub3A_317, %rem3A_345 : i32
        %mul3A_347 = arith.constant 128 : i32
        %mul3A_348 = arith.muli %rem3A_346, %mul3A_347 : i32
        %dma_wait3A_349 = arith.constant 0 : i32
        %dma_wait3A_350 = arith.constant 0 : i32
        %dma_wait3A_351 = arith.constant 0 : i32
        %dma_wait3A_352 = arith.constant 0 : i32
        %dma_wait3A_353 = arith.constant 0 : i32
        %dma_wait3A_354 = tpu.memref_slice %arg7[%dma_wait3A_349, %dma_wait3A_351, %dma_wait3A_352, %dma_wait3A_353] : memref<2x4x32x128xf32, #tpu.memory_space<vmem>> -> memref<1x4x32x128xf32, #tpu.memory_space<vmem>>
        %dma_wait3A_355 = tpu.memref_squeeze %dma_wait3A_354 : memref<1x4x32x128xf32, #tpu.memory_space<vmem>> -> memref<4x32x128xf32, #tpu.memory_space<vmem>>
        %dma_wait3A_356 = arith.constant 0 : i32
        %dma_wait3A_357 = tpu.memref_slice %arg4[%select_n3A, %add3A_344, %dma_wait3A_356, %mul3A_348] : memref<8x64x32x2048xf32, #tpu.memory_space<hbm>> -> memref<1x4x32x128xf32, #tpu.memory_space<hbm>>
        %dma_wait3A_358 = tpu.memref_squeeze %dma_wait3A_357 : memref<1x4x32x128xf32, #tpu.memory_space<hbm>> -> memref<4x32x128xf32, #tpu.memory_space<hbm>>
        %dma_wait3A_359 = tpu.memref_slice %arg9[%dma_wait3A_350] : memref<2x!tpu.dma_semaphore, #tpu.memory_space<semaphore_mem>> -> memref<1x!tpu.dma_semaphore, #tpu.memory_space<semaphore_mem>>
        %dma_wait3A_360 = tpu.memref_squeeze %dma_wait3A_359 : memref<1x!tpu.dma_semaphore, #tpu.memory_space<semaphore_mem>> -> memref<!tpu.dma_semaphore, #tpu.memory_space<semaphore_mem>>
        %dma_wait3A_361 = arith.constant 0 : i32
        %dma_wait3A_362 = tpu.memref_slice %arg4[%select_n3A, %add3A_344, %dma_wait3A_361, %mul3A_348] : memref<8x64x32x2048xf32, #tpu.memory_space<hbm>> -> memref<1x4x32x128xf32, #tpu.memory_space<hbm>>
        %dma_wait3A_363 = tpu.memref_squeeze %dma_wait3A_362 : memref<1x4x32x128xf32, #tpu.memory_space<hbm>> -> memref<4x32x128xf32, #tpu.memory_space<hbm>>
        %dma_wait3A_364 = arith.constant 0 : i32
        %dma_wait3A_365 = arith.constant 0 : i32
        %dma_wait3A_366 = arith.constant 0 : i32
        %dma_wait3A_367 = tpu.memref_slice %arg7[%dma_wait3A_349, %dma_wait3A_364, %dma_wait3A_365, %dma_wait3A_366] : memref<2x4x32x128xf32, #tpu.memory_space<vmem>> -> memref<1x4x32x128xf32, #tpu.memory_space<vmem>>
        %dma_wait3A_368 = tpu.memref_squeeze %dma_wait3A_367 : memref<1x4x32x128xf32, #tpu.memory_space<vmem>> -> memref<4x32x128xf32, #tpu.memory_space<vmem>>
        tpu.wait_dma2 semaphore(%dma_wait3A_360 : memref<!tpu.dma_semaphore, #tpu.memory_space<semaphore_mem>>) src(%dma_wait3A_368 : memref<4x32x128xf32, #tpu.memory_space<vmem>>) dst(%dma_wait3A_363 : memref<4x32x128xf32, #tpu.memory_space<hbm>>)
      } else {
      }
      %rem3A_163 = arith.constant 8 : i32
      %rem3A_164 = arith.remsi %scan3A_121, %rem3A_163 : i32
      %eq3A_165 = arith.constant 0 : i32
      %eq3A_166 = arith.cmpi eq, %rem3A_164, %eq3A_165 : i32
      %convert_element_type3A_167 = arith.extui %eq3A_166 : i1 to i32
      %cond3A_168 = arith.constant 0 : i32
      %cond3A_169 = arith.cmpi ne, %convert_element_type3A_167, %cond3A_168 : i32
      scf.if %cond3A_169 {
        %add3A_316 = arith.constant 0 : i32
        %add3A_317 = arith.addi %mul3A_32, %add3A_316 : i32
        %dma_wait3A_318 = arith.constant 0 : i32
        %dma_wait3A_319 = tpu.memref_slice %arg2[%select_n3A, %add3A_317, %dma_wait3A_318] : memref<8x64x16384xf32, #tpu.memory_space<hbm>> -> memref<1x4x16384xf32, #tpu.memory_space<hbm>>
        %dma_wait3A_320 = tpu.memref_squeeze %dma_wait3A_319 : memref<1x4x16384xf32, #tpu.memory_space<hbm>> -> memref<4x16384xf32, #tpu.memory_space<hbm>>
        %dma_wait3A_321 = arith.constant 0 : i32
        %dma_wait3A_322 = tpu.memref_slice %arg2[%select_n3A, %add3A_317, %dma_wait3A_321] : memref<8x64x16384xf32, #tpu.memory_space<hbm>> -> memref<1x4x16384xf32, #tpu.memory_space<hbm>>
        %dma_wait3A_323 = tpu.memref_squeeze %dma_wait3A_322 : memref<1x4x16384xf32, #tpu.memory_space<hbm>> -> memref<4x16384xf32, #tpu.memory_space<hbm>>
        tpu.wait_dma2 semaphore(%arg10 : memref<!tpu.dma_semaphore, #tpu.memory_space<semaphore_mem>>) src(%dma_wait3A_323 : memref<4x16384xf32, #tpu.memory_space<hbm>>) dst(%arg5 : memref<4x16384xf32, #tpu.memory_space<vmem>>)
      } else {
      }
      %parallel_loop3A = arith.constant 0 : i32
      %parallel_loop3A_170 = arith.constant 256 : i32
      %parallel_loop3A_171 = arith.constant 1 : i32
      scf.for %parallel_loop3A_316 = %parallel_loop3A to %parallel_loop3A_170 step %parallel_loop3A_171  : i32 {
        %parallel_loop3A_317 = arith.constant 5 : i32
        %parallel_loop3A_318 = arith.shrui %parallel_loop3A_316, %parallel_loop3A_317 : i32
        %parallel_loop3A_319 = arith.constant 31 : i32
        %parallel_loop3A_320 = arith.andi %parallel_loop3A_316, %parallel_loop3A_319 : i32
        %parallel_loop3A_321 = arith.constant 16 : i32
        %parallel_loop3A_322 = arith.muli %parallel_loop3A_318, %parallel_loop3A_321 : i32
        %parallel_loop3A_323 = arith.constant 0 : i32
        %parallel_loop3A_324 = arith.index_cast %parallel_loop3A_323 : i32 to index
        %parallel_loop3A_325 = arith.index_cast %parallel_loop3A_320 : i32 to index
        %parallel_loop3A_326 = arith.index_cast %parallel_loop3A_322 : i32 to index
        %parallel_loop3A_327 = tpu.vector_load %arg6[%parallel_loop3A_324, %parallel_loop3A_325, %parallel_loop3A_326] {strides = array<i32>} : memref<2x32x128xi32, #tpu.memory_space<vmem>>, vector<16xi32>,
        %parallel_loop3A_328 = tpu.vector_load_idx %arg5[%broadcast_in_dim3A_33, %parallel_loop3A_327] : memref<4x16384xf32, #tpu.memory_space<vmem>>[vector<16xi32>, vector<16xi32>], vector<16xf32>,
        %parallel_loop3A_329 = arith.constant 0 : i32
        %parallel_loop3A_330 = arith.constant 0 : i32
        %parallel_loop3A_331 = arith.index_cast %parallel_loop3A_329 : i32 to index
        %parallel_loop3A_332 = arith.index_cast %parallel_loop3A_330 : i32 to index
        %parallel_loop3A_333 = arith.index_cast %parallel_loop3A_320 : i32 to index
        %parallel_loop3A_334 = arith.index_cast %parallel_loop3A_322 : i32 to index
        %parallel_loop3A_335 = tpu.vector_load %arg7[%parallel_loop3A_331, %parallel_loop3A_332, %parallel_loop3A_333, %parallel_loop3A_334] {strides = array<i32>} : memref<2x4x32x128xf32, #tpu.memory_space<vmem>>, vector<16xf32>,
        tpu.vector_store %arg7[%parallel_loop3A_331, %parallel_loop3A_332, %parallel_loop3A_333, %parallel_loop3A_334], %parallel_loop3A_328 {strides = array<i32>} : memref<2x4x32x128xf32, #tpu.memory_space<vmem>>, vector<16xf32>,
        %parallel_loop3A_336 = tpu.vector_load_idx %arg5[%broadcast_in_dim3A_35, %parallel_loop3A_327] : memref<4x16384xf32, #tpu.memory_space<vmem>>[vector<16xi32>, vector<16xi32>], vector<16xf32>,
        %parallel_loop3A_337 = arith.constant 0 : i32
        %parallel_loop3A_338 = arith.constant 1 : i32
        %parallel_loop3A_339 = arith.index_cast %parallel_loop3A_337 : i32 to index
        %parallel_loop3A_340 = arith.index_cast %parallel_loop3A_338 : i32 to index
        %parallel_loop3A_341 = arith.index_cast %parallel_loop3A_320 : i32 to index
        %parallel_loop3A_342 = arith.index_cast %parallel_loop3A_322 : i32 to index
        %parallel_loop3A_343 = tpu.vector_load %arg7[%parallel_loop3A_339, %parallel_loop3A_340, %parallel_loop3A_341, %parallel_loop3A_342] {strides = array<i32>} : memref<2x4x32x128xf32, #tpu.memory_space<vmem>>, vector<16xf32>,
        tpu.vector_store %arg7[%parallel_loop3A_339, %parallel_loop3A_340, %parallel_loop3A_341, %parallel_loop3A_342], %parallel_loop3A_336 {strides = array<i32>} : memref<2x4x32x128xf32, #tpu.memory_space<vmem>>, vector<16xf32>,
        %parallel_loop3A_344 = tpu.vector_load_idx %arg5[%broadcast_in_dim3A_37, %parallel_loop3A_327] : memref<4x16384xf32, #tpu.memory_space<vmem>>[vector<16xi32>, vector<16xi32>], vector<16xf32>,
        %parallel_loop3A_345 = arith.constant 0 : i32
        %parallel_loop3A_346 = arith.constant 2 : i32
        %parallel_loop3A_347 = arith.index_cast %parallel_loop3A_345 : i32 to index
        %parallel_loop3A_348 = arith.index_cast %parallel_loop3A_346 : i32 to index
        %parallel_loop3A_349 = arith.index_cast %parallel_loop3A_320 : i32 to index
        %parallel_loop3A_350 = arith.index_cast %parallel_loop3A_322 : i32 to index
        %parallel_loop3A_351 = tpu.vector_load %arg7[%parallel_loop3A_347, %parallel_loop3A_348, %parallel_loop3A_349, %parallel_loop3A_350] {strides = array<i32>} : memref<2x4x32x128xf32, #tpu.memory_space<vmem>>, vector<16xf32>,
        tpu.vector_store %arg7[%parallel_loop3A_347, %parallel_loop3A_348, %parallel_loop3A_349, %parallel_loop3A_350], %parallel_loop3A_344 {strides = array<i32>} : memref<2x4x32x128xf32, #tpu.memory_space<vmem>>, vector<16xf32>,
        %parallel_loop3A_352 = tpu.vector_load_idx %arg5[%broadcast_in_dim3A_39, %parallel_loop3A_327] : memref<4x16384xf32, #tpu.memory_space<vmem>>[vector<16xi32>, vector<16xi32>], vector<16xf32>,
        %parallel_loop3A_353 = arith.constant 0 : i32
        %parallel_loop3A_354 = arith.constant 3 : i32
        %parallel_loop3A_355 = arith.index_cast %parallel_loop3A_353 : i32 to index
        %parallel_loop3A_356 = arith.index_cast %parallel_loop3A_354 : i32 to index
        %parallel_loop3A_357 = arith.index_cast %parallel_loop3A_320 : i32 to index
        %parallel_loop3A_358 = arith.index_cast %parallel_loop3A_322 : i32 to index
        %parallel_loop3A_359 = tpu.vector_load %arg7[%parallel_loop3A_355, %parallel_loop3A_356, %parallel_loop3A_357, %parallel_loop3A_358] {strides = array<i32>} : memref<2x4x32x128xf32, #tpu.memory_space<vmem>>, vector<16xf32>,
        tpu.vector_store %arg7[%parallel_loop3A_355, %parallel_loop3A_356, %parallel_loop3A_357, %parallel_loop3A_358], %parallel_loop3A_352 {strides = array<i32>} : memref<2x4x32x128xf32, #tpu.memory_space<vmem>>, vector<16xf32>,
      } {sc.loop_unroll_factor = 8 : i64, sc.parallel_access}
      %jit3A_172 = arith.constant 16 : i32
      %div3A_173 = arith.divsi %mul3A_129, %jit3A_172 : i32
      %sign3A_174 = arith.constant 0 : i32
      %sign3A_175 = arith.cmpi sgt, %mul3A_129, %sign3A_174 : i32
      %sign3A_176 = arith.extui %sign3A_175 : i1 to i32
      %sign3A_177 = arith.constant 0 : i32
      %sign3A_178 = arith.cmpi slt, %mul3A_129, %sign3A_177 : i32
      %sign3A_179 = arith.extui %sign3A_178 : i1 to i32
      %sign3A_180 = arith.subi %sign3A_176, %sign3A_179 : i32
      %sign3A_181 = arith.constant 0 : i32
      %sign3A_182 = arith.cmpi sgt, %jit3A_172, %sign3A_181 : i32
      %sign3A_183 = arith.extui %sign3A_182 : i1 to i32
      %sign3A_184 = arith.constant 0 : i32
      %sign3A_185 = arith.cmpi slt, %jit3A_172, %sign3A_184 : i32
      %sign3A_186 = arith.extui %sign3A_185 : i1 to i32
      %sign3A_187 = arith.subi %sign3A_183, %sign3A_186 : i32
      %ne3A_188 = arith.cmpi ne, %sign3A_180, %sign3A_187 : i32
      %rem3A_189 = arith.remsi %mul3A_129, %jit3A_172 : i32
      %ne3A_190 = arith.constant 0 : i32
      %ne3A_191 = arith.cmpi ne, %rem3A_189, %ne3A_190 : i32
      %and3A_192 = arith.andi %ne3A_188, %ne3A_191 : i1
      %sub3A_193 = arith.constant 1 : i32
      %sub3A_194 = arith.subi %div3A_173, %sub3A_193 : i32
      %select_n3A_195 = arith.select %and3A_192, %sub3A_194, %div3A_173 : i32
      %mul3A_196 = arith.constant 4 : i32
      %mul3A_197 = arith.muli %select_n3A_195, %mul3A_196 : i32
      %add3A_198 = arith.addi %mul3A_32, %mul3A_197 : i32
      %rem3A_199 = arith.constant 16 : i32
      %rem3A_200 = arith.remsi %mul3A_129, %rem3A_199 : i32
      %mul3A_201 = arith.constant 128 : i32
      %mul3A_202 = arith.muli %rem3A_200, %mul3A_201 : i32
      %dma_start3A_203 = arith.constant 0 : i32
      %dma_start3A_204 = arith.constant 0 : i32
      %dma_start3A_205 = arith.constant 0 : i32
      %dma_start3A_206 = arith.constant 0 : i32
      %dma_start3A_207 = arith.constant 0 : i32
      %dma_start3A_208 = tpu.memref_slice %arg7[%dma_start3A_203, %dma_start3A_205, %dma_start3A_206, %dma_start3A_207] : memref<2x4x32x128xf32, #tpu.memory_space<vmem>> -> memref<1x4x32x128xf32, #tpu.memory_space<vmem>>
      %dma_start3A_209 = tpu.memref_squeeze %dma_start3A_208 : memref<1x4x32x128xf32, #tpu.memory_space<vmem>> -> memref<4x32x128xf32, #tpu.memory_space<vmem>>
      %dma_start3A_210 = arith.constant 0 : i32
      %dma_start3A_211 = tpu.memref_slice %arg4[%select_n3A, %add3A_198, %dma_start3A_210, %mul3A_202] : memref<8x64x32x2048xf32, #tpu.memory_space<hbm>> -> memref<1x4x32x128xf32, #tpu.memory_space<hbm>>
      %dma_start3A_212 = tpu.memref_squeeze %dma_start3A_211 : memref<1x4x32x128xf32, #tpu.memory_space<hbm>> -> memref<4x32x128xf32, #tpu.memory_space<hbm>>
      %dma_start3A_213 = tpu.memref_slice %arg9[%dma_start3A_204] : memref<2x!tpu.dma_semaphore, #tpu.memory_space<semaphore_mem>> -> memref<1x!tpu.dma_semaphore, #tpu.memory_space<semaphore_mem>>
      %dma_start3A_214 = tpu.memref_squeeze %dma_start3A_213 : memref<1x!tpu.dma_semaphore, #tpu.memory_space<semaphore_mem>> -> memref<!tpu.dma_semaphore, #tpu.memory_space<semaphore_mem>>
      %dma_start3A_215 = arith.constant 0 : i32
      %dma_start3A_216 = tpu.memref_slice %arg4[%select_n3A, %add3A_198, %dma_start3A_215, %mul3A_202] : memref<8x64x32x2048xf32, #tpu.memory_space<hbm>> -> memref<1x4x32x128xf32, #tpu.memory_space<hbm>>
      %dma_start3A_217 = tpu.memref_squeeze %dma_start3A_216 : memref<1x4x32x128xf32, #tpu.memory_space<hbm>> -> memref<4x32x128xf32, #tpu.memory_space<hbm>>
      %dma_start3A_218 = arith.constant 0 : i32
      %dma_start3A_219 = arith.constant 0 : i32
      %dma_start3A_220 = arith.constant 0 : i32
      %dma_start3A_221 = tpu.memref_slice %arg7[%dma_start3A_203, %dma_start3A_218, %dma_start3A_219, %dma_start3A_220] : memref<2x4x32x128xf32, #tpu.memory_space<vmem>> -> memref<1x4x32x128xf32, #tpu.memory_space<vmem>>
      %dma_start3A_222 = tpu.memref_squeeze %dma_start3A_221 : memref<1x4x32x128xf32, #tpu.memory_space<vmem>> -> memref<4x32x128xf32, #tpu.memory_space<vmem>>
      tpu.enqueue_dma source(%dma_start3A_222 : memref<4x32x128xf32, #tpu.memory_space<vmem>>) target(%dma_start3A_217 : memref<4x32x128xf32, #tpu.memory_space<hbm>>) target_semaphore(%dma_start3A_214 : memref<!tpu.dma_semaphore, #tpu.memory_space<semaphore_mem>>)
      %mul3A_223 = arith.constant 2 : i32
      %mul3A_224 = arith.muli %mul3A_223, %scan3A_121 : i32
      %add3A_225 = arith.constant 1 : i32
      %add3A_226 = arith.addi %mul3A_224, %add3A_225 : i32
      %rem3A_227 = arith.constant 16 : i32
      %rem3A_228 = arith.remsi %add3A_226, %rem3A_227 : i32
      %mul3A_229 = arith.constant 128 : i32
      %mul3A_230 = arith.muli %rem3A_228, %mul3A_229 : i32
      %dma_wait3A_231 = arith.constant 1 : i32
      %dma_wait3A_232 = arith.constant 1 : i32
      %dma_wait3A_233 = arith.constant 0 : i32
      %dma_wait3A_234 = arith.constant 0 : i32
      %dma_wait3A_235 = tpu.memref_slice %arg6[%dma_wait3A_231, %dma_wait3A_233, %dma_wait3A_234] : memref<2x32x128xi32, #tpu.memory_space<vmem>> -> memref<1x32x128xi32, #tpu.memory_space<vmem>>
      %dma_wait3A_236 = tpu.memref_squeeze %dma_wait3A_235 : memref<1x32x128xi32, #tpu.memory_space<vmem>> -> memref<32x128xi32, #tpu.memory_space<vmem>>
      %dma_wait3A_237 = arith.constant 0 : i32
      %dma_wait3A_238 = tpu.memref_slice %arg3[%select_n3A, %dma_wait3A_237, %mul3A_230] : memref<8x32x2048xi32, #tpu.memory_space<hbm>> -> memref<1x32x128xi32, #tpu.memory_space<hbm>>
      %dma_wait3A_239 = tpu.memref_squeeze %dma_wait3A_238 : memref<1x32x128xi32, #tpu.memory_space<hbm>> -> memref<32x128xi32, #tpu.memory_space<hbm>>
      %dma_wait3A_240 = tpu.memref_slice %arg8[%dma_wait3A_232] : memref<2x!tpu.dma_semaphore, #tpu.memory_space<semaphore_mem>> -> memref<1x!tpu.dma_semaphore, #tpu.memory_space<semaphore_mem>>
      %dma_wait3A_241 = tpu.memref_squeeze %dma_wait3A_240 : memref<1x!tpu.dma_semaphore, #tpu.memory_space<semaphore_mem>> -> memref<!tpu.dma_semaphore, #tpu.memory_space<semaphore_mem>>
      %dma_wait3A_242 = arith.constant 0 : i32
      %dma_wait3A_243 = arith.constant 0 : i32
      %dma_wait3A_244 = tpu.memref_slice %arg6[%dma_wait3A_231, %dma_wait3A_242, %dma_wait3A_243] : memref<2x32x128xi32, #tpu.memory_space<vmem>> -> memref<1x32x128xi32, #tpu.memory_space<vmem>>
      %dma_wait3A_245 = tpu.memref_squeeze %dma_wait3A_244 : memref<1x32x128xi32, #tpu.memory_space<vmem>> -> memref<32x128xi32, #tpu.memory_space<vmem>>
      %dma_wait3A_246 = arith.constant 0 : i32
      %dma_wait3A_247 = tpu.memref_slice %arg3[%select_n3A, %dma_wait3A_246, %mul3A_230] : memref<8x32x2048xi32, #tpu.memory_space<hbm>> -> memref<1x32x128xi32, #tpu.memory_space<hbm>>
      %dma_wait3A_248 = tpu.memref_squeeze %dma_wait3A_247 : memref<1x32x128xi32, #tpu.memory_space<hbm>> -> memref<32x128xi32, #tpu.memory_space<hbm>>
      tpu.wait_dma2 semaphore(%dma_wait3A_241 : memref<!tpu.dma_semaphore, #tpu.memory_space<semaphore_mem>>) src(%dma_wait3A_248 : memref<32x128xi32, #tpu.memory_space<hbm>>) dst(%dma_wait3A_245 : memref<32x128xi32, #tpu.memory_space<vmem>>)
      %add3A_249 = arith.constant 1 : i32
      %add3A_250 = arith.addi %add3A_226, %add3A_249 : i32
      %lt3A_251 = arith.constant 64 : i32
      %lt3A_252 = arith.cmpi slt, %add3A_250, %lt3A_251 : i32
      %convert_element_type3A_253 = arith.extui %lt3A_252 : i1 to i32
      %cond3A_254 = arith.constant 0 : i32
      %cond3A_255 = arith.cmpi ne, %convert_element_type3A_253, %cond3A_254 : i32
      scf.if %cond3A_255 {
        %add3A_316 = arith.constant 1 : i32
        %add3A_317 = arith.addi %add3A_226, %add3A_316 : i32
        %rem3A_318 = arith.constant 16 : i32
        %rem3A_319 = arith.remsi %add3A_317, %rem3A_318 : i32
        %mul3A_320 = arith.constant 128 : i32
        %mul3A_321 = arith.muli %rem3A_319, %mul3A_320 : i32
        %dma_start3A_322 = arith.constant 0 : i32
        %dma_start3A_323 = arith.constant 0 : i32
        %dma_start3A_324 = arith.constant 0 : i32
        %dma_start3A_325 = arith.constant 0 : i32
        %dma_start3A_326 = tpu.memref_slice %arg6[%dma_start3A_322, %dma_start3A_324, %dma_start3A_325] : memref<2x32x128xi32, #tpu.memory_space<vmem>> -> memref<1x32x128xi32, #tpu.memory_space<vmem>>
        %dma_start3A_327 = tpu.memref_squeeze %dma_start3A_326 : memref<1x32x128xi32, #tpu.memory_space<vmem>> -> memref<32x128xi32, #tpu.memory_space<vmem>>
        %dma_start3A_328 = arith.constant 0 : i32
        %dma_start3A_329 = tpu.memref_slice %arg3[%select_n3A, %dma_start3A_328, %mul3A_321] : memref<8x32x2048xi32, #tpu.memory_space<hbm>> -> memref<1x32x128xi32, #tpu.memory_space<hbm>>
        %dma_start3A_330 = tpu.memref_squeeze %dma_start3A_329 : memref<1x32x128xi32, #tpu.memory_space<hbm>> -> memref<32x128xi32, #tpu.memory_space<hbm>>
        %dma_start3A_331 = tpu.memref_slice %arg8[%dma_start3A_323] : memref<2x!tpu.dma_semaphore, #tpu.memory_space<semaphore_mem>> -> memref<1x!tpu.dma_semaphore, #tpu.memory_space<semaphore_mem>>
        %dma_start3A_332 = tpu.memref_squeeze %dma_start3A_331 : memref<1x!tpu.dma_semaphore, #tpu.memory_space<semaphore_mem>> -> memref<!tpu.dma_semaphore, #tpu.memory_space<semaphore_mem>>
        %dma_start3A_333 = arith.constant 0 : i32
        %dma_start3A_334 = arith.constant 0 : i32
        %dma_start3A_335 = tpu.memref_slice %arg6[%dma_start3A_322, %dma_start3A_333, %dma_start3A_334] : memref<2x32x128xi32, #tpu.memory_space<vmem>> -> memref<1x32x128xi32, #tpu.memory_space<vmem>>
        %dma_start3A_336 = tpu.memref_squeeze %dma_start3A_335 : memref<1x32x128xi32, #tpu.memory_space<vmem>> -> memref<32x128xi32, #tpu.memory_space<vmem>>
        %dma_start3A_337 = arith.constant 0 : i32
        %dma_start3A_338 = tpu.memref_slice %arg3[%select_n3A, %dma_start3A_337, %mul3A_321] : memref<8x32x2048xi32, #tpu.memory_space<hbm>> -> memref<1x32x128xi32, #tpu.memory_space<hbm>>
        %dma_start3A_339 = tpu.memref_squeeze %dma_start3A_338 : memref<1x32x128xi32, #tpu.memory_space<hbm>> -> memref<32x128xi32, #tpu.memory_space<hbm>>
        tpu.enqueue_dma source(%dma_start3A_339 : memref<32x128xi32, #tpu.memory_space<hbm>>) target(%dma_start3A_336 : memref<32x128xi32, #tpu.memory_space<vmem>>) target_semaphore(%dma_start3A_332 : memref<!tpu.dma_semaphore, #tpu.memory_space<semaphore_mem>>)
      } else {
      }
      %gt3A_256 = arith.constant 0 : i32
      %gt3A_257 = arith.cmpi sgt, %scan3A_121, %gt3A_256 : i32
      %convert_element_type3A_258 = arith.extui %gt3A_257 : i1 to i32
      %cond3A_259 = arith.constant 0 : i32
      %cond3A_260 = arith.cmpi ne, %convert_element_type3A_258, %cond3A_259 : i32
      scf.if %cond3A_260 {
        %sub3A_316 = arith.constant 2 : i32
        %sub3A_317 = arith.subi %add3A_226, %sub3A_316 : i32
        %jit3A_318 = arith.constant 16 : i32
        %div3A_319 = arith.divsi %sub3A_317, %jit3A_318 : i32
        %sign3A_320 = arith.constant 0 : i32
        %sign3A_321 = arith.cmpi sgt, %sub3A_317, %sign3A_320 : i32
        %sign3A_322 = arith.extui %sign3A_321 : i1 to i32
        %sign3A_323 = arith.constant 0 : i32
        %sign3A_324 = arith.cmpi slt, %sub3A_317, %sign3A_323 : i32
        %sign3A_325 = arith.extui %sign3A_324 : i1 to i32
        %sign3A_326 = arith.subi %sign3A_322, %sign3A_325 : i32
        %sign3A_327 = arith.constant 0 : i32
        %sign3A_328 = arith.cmpi sgt, %jit3A_318, %sign3A_327 : i32
        %sign3A_329 = arith.extui %sign3A_328 : i1 to i32
        %sign3A_330 = arith.constant 0 : i32
        %sign3A_331 = arith.cmpi slt, %jit3A_318, %sign3A_330 : i32
        %sign3A_332 = arith.extui %sign3A_331 : i1 to i32
        %sign3A_333 = arith.subi %sign3A_329, %sign3A_332 : i32
        %ne3A_334 = arith.cmpi ne, %sign3A_326, %sign3A_333 : i32
        %rem3A_335 = arith.remsi %sub3A_317, %jit3A_318 : i32
        %ne3A_336 = arith.constant 0 : i32
        %ne3A_337 = arith.cmpi ne, %rem3A_335, %ne3A_336 : i32
        %and3A_338 = arith.andi %ne3A_334, %ne3A_337 : i1
        %sub3A_339 = arith.constant 1 : i32
        %sub3A_340 = arith.subi %div3A_319, %sub3A_339 : i32
        %select_n3A_341 = arith.select %and3A_338, %sub3A_340, %div3A_319 : i32
        %mul3A_342 = arith.constant 4 : i32
        %mul3A_343 = arith.muli %select_n3A_341, %mul3A_342 : i32
        %add3A_344 = arith.addi %mul3A_32, %mul3A_343 : i32
        %rem3A_345 = arith.constant 16 : i32
        %rem3A_346 = arith.remsi %sub3A_317, %rem3A_345 : i32
        %mul3A_347 = arith.constant 128 : i32
        %mul3A_348 = arith.muli %rem3A_346, %mul3A_347 : i32
        %dma_wait3A_349 = arith.constant 1 : i32
        %dma_wait3A_350 = arith.constant 1 : i32
        %dma_wait3A_351 = arith.constant 0 : i32
        %dma_wait3A_352 = arith.constant 0 : i32
        %dma_wait3A_353 = arith.constant 0 : i32
        %dma_wait3A_354 = tpu.memref_slice %arg7[%dma_wait3A_349, %dma_wait3A_351, %dma_wait3A_352, %dma_wait3A_353] : memref<2x4x32x128xf32, #tpu.memory_space<vmem>> -> memref<1x4x32x128xf32, #tpu.memory_space<vmem>>
        %dma_wait3A_355 = tpu.memref_squeeze %dma_wait3A_354 : memref<1x4x32x128xf32, #tpu.memory_space<vmem>> -> memref<4x32x128xf32, #tpu.memory_space<vmem>>
        %dma_wait3A_356 = arith.constant 0 : i32
        %dma_wait3A_357 = tpu.memref_slice %arg4[%select_n3A, %add3A_344, %dma_wait3A_356, %mul3A_348] : memref<8x64x32x2048xf32, #tpu.memory_space<hbm>> -> memref<1x4x32x128xf32, #tpu.memory_space<hbm>>
        %dma_wait3A_358 = tpu.memref_squeeze %dma_wait3A_357 : memref<1x4x32x128xf32, #tpu.memory_space<hbm>> -> memref<4x32x128xf32, #tpu.memory_space<hbm>>
        %dma_wait3A_359 = tpu.memref_slice %arg9[%dma_wait3A_350] : memref<2x!tpu.dma_semaphore, #tpu.memory_space<semaphore_mem>> -> memref<1x!tpu.dma_semaphore, #tpu.memory_space<semaphore_mem>>
        %dma_wait3A_360 = tpu.memref_squeeze %dma_wait3A_359 : memref<1x!tpu.dma_semaphore, #tpu.memory_space<semaphore_mem>> -> memref<!tpu.dma_semaphore, #tpu.memory_space<semaphore_mem>>
        %dma_wait3A_361 = arith.constant 0 : i32
        %dma_wait3A_362 = tpu.memref_slice %arg4[%select_n3A, %add3A_344, %dma_wait3A_361, %mul3A_348] : memref<8x64x32x2048xf32, #tpu.memory_space<hbm>> -> memref<1x4x32x128xf32, #tpu.memory_space<hbm>>
        %dma_wait3A_363 = tpu.memref_squeeze %dma_wait3A_362 : memref<1x4x32x128xf32, #tpu.memory_space<hbm>> -> memref<4x32x128xf32, #tpu.memory_space<hbm>>
        %dma_wait3A_364 = arith.constant 0 : i32
        %dma_wait3A_365 = arith.constant 0 : i32
        %dma_wait3A_366 = arith.constant 0 : i32
        %dma_wait3A_367 = tpu.memref_slice %arg7[%dma_wait3A_349, %dma_wait3A_364, %dma_wait3A_365, %dma_wait3A_366] : memref<2x4x32x128xf32, #tpu.memory_space<vmem>> -> memref<1x4x32x128xf32, #tpu.memory_space<vmem>>
        %dma_wait3A_368 = tpu.memref_squeeze %dma_wait3A_367 : memref<1x4x32x128xf32, #tpu.memory_space<vmem>> -> memref<4x32x128xf32, #tpu.memory_space<vmem>>
        tpu.wait_dma2 semaphore(%dma_wait3A_360 : memref<!tpu.dma_semaphore, #tpu.memory_space<semaphore_mem>>) src(%dma_wait3A_368 : memref<4x32x128xf32, #tpu.memory_space<vmem>>) dst(%dma_wait3A_363 : memref<4x32x128xf32, #tpu.memory_space<hbm>>)
      } else {
      }
      %parallel_loop3A_261 = arith.constant 0 : i32
      %parallel_loop3A_262 = arith.constant 256 : i32
      %parallel_loop3A_263 = arith.constant 1 : i32
      scf.for %parallel_loop3A_316 = %parallel_loop3A_261 to %parallel_loop3A_262 step %parallel_loop3A_263  : i32 {
        %parallel_loop3A_317 = arith.constant 5 : i32
        %parallel_loop3A_318 = arith.shrui %parallel_loop3A_316, %parallel_loop3A_317 : i32
        %parallel_loop3A_319 = arith.constant 31 : i32
        %parallel_loop3A_320 = arith.andi %parallel_loop3A_316, %parallel_loop3A_319 : i32
        %parallel_loop3A_321 = arith.constant 16 : i32
        %parallel_loop3A_322 = arith.muli %parallel_loop3A_318, %parallel_loop3A_321 : i32
        %parallel_loop3A_323 = arith.constant 1 : i32
        %parallel_loop3A_324 = arith.index_cast %parallel_loop3A_323 : i32 to index
        %parallel_loop3A_325 = arith.index_cast %parallel_loop3A_320 : i32 to index
        %parallel_loop3A_326 = arith.index_cast %parallel_loop3A_322 : i32 to index
        %parallel_loop3A_327 = tpu.vector_load %arg6[%parallel_loop3A_324, %parallel_loop3A_325, %parallel_loop3A_326] {strides = array<i32>} : memref<2x32x128xi32, #tpu.memory_space<vmem>>, vector<16xi32>,
        %parallel_loop3A_328 = tpu.vector_load_idx %arg5[%broadcast_in_dim3A_33, %parallel_loop3A_327] : memref<4x16384xf32, #tpu.memory_space<vmem>>[vector<16xi32>, vector<16xi32>], vector<16xf32>,
        %parallel_loop3A_329 = arith.constant 1 : i32
        %parallel_loop3A_330 = arith.constant 0 : i32
        %parallel_loop3A_331 = arith.index_cast %parallel_loop3A_329 : i32 to index
        %parallel_loop3A_332 = arith.index_cast %parallel_loop3A_330 : i32 to index
        %parallel_loop3A_333 = arith.index_cast %parallel_loop3A_320 : i32 to index
        %parallel_loop3A_334 = arith.index_cast %parallel_loop3A_322 : i32 to index
        %parallel_loop3A_335 = tpu.vector_load %arg7[%parallel_loop3A_331, %parallel_loop3A_332, %parallel_loop3A_333, %parallel_loop3A_334] {strides = array<i32>} : memref<2x4x32x128xf32, #tpu.memory_space<vmem>>, vector<16xf32>,
        tpu.vector_store %arg7[%parallel_loop3A_331, %parallel_loop3A_332, %parallel_loop3A_333, %parallel_loop3A_334], %parallel_loop3A_328 {strides = array<i32>} : memref<2x4x32x128xf32, #tpu.memory_space<vmem>>, vector<16xf32>,
        %parallel_loop3A_336 = tpu.vector_load_idx %arg5[%broadcast_in_dim3A_35, %parallel_loop3A_327] : memref<4x16384xf32, #tpu.memory_space<vmem>>[vector<16xi32>, vector<16xi32>], vector<16xf32>,
        %parallel_loop3A_337 = arith.constant 1 : i32
        %parallel_loop3A_338 = arith.constant 1 : i32
        %parallel_loop3A_339 = arith.index_cast %parallel_loop3A_337 : i32 to index
        %parallel_loop3A_340 = arith.index_cast %parallel_loop3A_338 : i32 to index
        %parallel_loop3A_341 = arith.index_cast %parallel_loop3A_320 : i32 to index
        %parallel_loop3A_342 = arith.index_cast %parallel_loop3A_322 : i32 to index
        %parallel_loop3A_343 = tpu.vector_load %arg7[%parallel_loop3A_339, %parallel_loop3A_340, %parallel_loop3A_341, %parallel_loop3A_342] {strides = array<i32>} : memref<2x4x32x128xf32, #tpu.memory_space<vmem>>, vector<16xf32>,
        tpu.vector_store %arg7[%parallel_loop3A_339, %parallel_loop3A_340, %parallel_loop3A_341, %parallel_loop3A_342], %parallel_loop3A_336 {strides = array<i32>} : memref<2x4x32x128xf32, #tpu.memory_space<vmem>>, vector<16xf32>,
        %parallel_loop3A_344 = tpu.vector_load_idx %arg5[%broadcast_in_dim3A_37, %parallel_loop3A_327] : memref<4x16384xf32, #tpu.memory_space<vmem>>[vector<16xi32>, vector<16xi32>], vector<16xf32>,
        %parallel_loop3A_345 = arith.constant 1 : i32
        %parallel_loop3A_346 = arith.constant 2 : i32
        %parallel_loop3A_347 = arith.index_cast %parallel_loop3A_345 : i32 to index
        %parallel_loop3A_348 = arith.index_cast %parallel_loop3A_346 : i32 to index
        %parallel_loop3A_349 = arith.index_cast %parallel_loop3A_320 : i32 to index
        %parallel_loop3A_350 = arith.index_cast %parallel_loop3A_322 : i32 to index
        %parallel_loop3A_351 = tpu.vector_load %arg7[%parallel_loop3A_347, %parallel_loop3A_348, %parallel_loop3A_349, %parallel_loop3A_350] {strides = array<i32>} : memref<2x4x32x128xf32, #tpu.memory_space<vmem>>, vector<16xf32>,
        tpu.vector_store %arg7[%parallel_loop3A_347, %parallel_loop3A_348, %parallel_loop3A_349, %parallel_loop3A_350], %parallel_loop3A_344 {strides = array<i32>} : memref<2x4x32x128xf32, #tpu.memory_space<vmem>>, vector<16xf32>,
        %parallel_loop3A_352 = tpu.vector_load_idx %arg5[%broadcast_in_dim3A_39, %parallel_loop3A_327] : memref<4x16384xf32, #tpu.memory_space<vmem>>[vector<16xi32>, vector<16xi32>], vector<16xf32>,
        %parallel_loop3A_353 = arith.constant 1 : i32
        %parallel_loop3A_354 = arith.constant 3 : i32
        %parallel_loop3A_355 = arith.index_cast %parallel_loop3A_353 : i32 to index
        %parallel_loop3A_356 = arith.index_cast %parallel_loop3A_354 : i32 to index
        %parallel_loop3A_357 = arith.index_cast %parallel_loop3A_320 : i32 to index
        %parallel_loop3A_358 = arith.index_cast %parallel_loop3A_322 : i32 to index
        %parallel_loop3A_359 = tpu.vector_load %arg7[%parallel_loop3A_355, %parallel_loop3A_356, %parallel_loop3A_357, %parallel_loop3A_358] {strides = array<i32>} : memref<2x4x32x128xf32, #tpu.memory_space<vmem>>, vector<16xf32>,
        tpu.vector_store %arg7[%parallel_loop3A_355, %parallel_loop3A_356, %parallel_loop3A_357, %parallel_loop3A_358], %parallel_loop3A_352 {strides = array<i32>} : memref<2x4x32x128xf32, #tpu.memory_space<vmem>>, vector<16xf32>,
      } {sc.loop_unroll_factor = 8 : i64, sc.parallel_access}
      %jit3A_264 = arith.constant 16 : i32
      %div3A_265 = arith.divsi %add3A_226, %jit3A_264 : i32
      %sign3A_266 = arith.constant 0 : i32
      %sign3A_267 = arith.cmpi sgt, %add3A_226, %sign3A_266 : i32
      %sign3A_268 = arith.extui %sign3A_267 : i1 to i32
      %sign3A_269 = arith.constant 0 : i32
      %sign3A_270 = arith.cmpi slt, %add3A_226, %sign3A_269 : i32
      %sign3A_271 = arith.extui %sign3A_270 : i1 to i32
      %sign3A_272 = arith.subi %sign3A_268, %sign3A_271 : i32
      %sign3A_273 = arith.constant 0 : i32
      %sign3A_274 = arith.cmpi sgt, %jit3A_264, %sign3A_273 : i32
      %sign3A_275 = arith.extui %sign3A_274 : i1 to i32
      %sign3A_276 = arith.constant 0 : i32
      %sign3A_277 = arith.cmpi slt, %jit3A_264, %sign3A_276 : i32
      %sign3A_278 = arith.extui %sign3A_277 : i1 to i32
      %sign3A_279 = arith.subi %sign3A_275, %sign3A_278 : i32
      %ne3A_280 = arith.cmpi ne, %sign3A_272, %sign3A_279 : i32
      %rem3A_281 = arith.remsi %add3A_226, %jit3A_264 : i32
      %ne3A_282 = arith.constant 0 : i32
      %ne3A_283 = arith.cmpi ne, %rem3A_281, %ne3A_282 : i32
      %and3A_284 = arith.andi %ne3A_280, %ne3A_283 : i1
      %sub3A_285 = arith.constant 1 : i32
      %sub3A_286 = arith.subi %div3A_265, %sub3A_285 : i32
      %select_n3A_287 = arith.select %and3A_284, %sub3A_286, %div3A_265 : i32
      %mul3A_288 = arith.constant 4 : i32
      %mul3A_289 = arith.muli %select_n3A_287, %mul3A_288 : i32
      %add3A_290 = arith.addi %mul3A_32, %mul3A_289 : i32
      %rem3A_291 = arith.constant 16 : i32
      %rem3A_292 = arith.remsi %add3A_226, %rem3A_291 : i32
      %mul3A_293 = arith.constant 128 : i32
      %mul3A_294 = arith.muli %rem3A_292, %mul3A_293 : i32
      %dma_start3A_295 = arith.constant 1 : i32
      %dma_start3A_296 = arith.constant 1 : i32
      %dma_start3A_297 = arith.constant 0 : i32
      %dma_start3A_298 = arith.constant 0 : i32
      %dma_start3A_299 = arith.constant 0 : i32
      %dma_start3A_300 = tpu.memref_slice %arg7[%dma_start3A_295, %dma_start3A_297, %dma_start3A_298, %dma_start3A_299] : memref<2x4x32x128xf32, #tpu.memory_space<vmem>> -> memref<1x4x32x128xf32, #tpu.memory_space<vmem>>
      %dma_start3A_301 = tpu.memref_squeeze %dma_start3A_300 : memref<1x4x32x128xf32, #tpu.memory_space<vmem>> -> memref<4x32x128xf32, #tpu.memory_space<vmem>>
      %dma_start3A_302 = arith.constant 0 : i32
      %dma_start3A_303 = tpu.memref_slice %arg4[%select_n3A, %add3A_290, %dma_start3A_302, %mul3A_294] : memref<8x64x32x2048xf32, #tpu.memory_space<hbm>> -> memref<1x4x32x128xf32, #tpu.memory_space<hbm>>
      %dma_start3A_304 = tpu.memref_squeeze %dma_start3A_303 : memref<1x4x32x128xf32, #tpu.memory_space<hbm>> -> memref<4x32x128xf32, #tpu.memory_space<hbm>>
      %dma_start3A_305 = tpu.memref_slice %arg9[%dma_start3A_296] : memref<2x!tpu.dma_semaphore, #tpu.memory_space<semaphore_mem>> -> memref<1x!tpu.dma_semaphore, #tpu.memory_space<semaphore_mem>>
      %dma_start3A_306 = tpu.memref_squeeze %dma_start3A_305 : memref<1x!tpu.dma_semaphore, #tpu.memory_space<semaphore_mem>> -> memref<!tpu.dma_semaphore, #tpu.memory_space<semaphore_mem>>
      %dma_start3A_307 = arith.constant 0 : i32
      %dma_start3A_308 = tpu.memref_slice %arg4[%select_n3A, %add3A_290, %dma_start3A_307, %mul3A_294] : memref<8x64x32x2048xf32, #tpu.memory_space<hbm>> -> memref<1x4x32x128xf32, #tpu.memory_space<hbm>>
      %dma_start3A_309 = tpu.memref_squeeze %dma_start3A_308 : memref<1x4x32x128xf32, #tpu.memory_space<hbm>> -> memref<4x32x128xf32, #tpu.memory_space<hbm>>
      %dma_start3A_310 = arith.constant 0 : i32
      %dma_start3A_311 = arith.constant 0 : i32
      %dma_start3A_312 = arith.constant 0 : i32
      %dma_start3A_313 = tpu.memref_slice %arg7[%dma_start3A_295, %dma_start3A_310, %dma_start3A_311, %dma_start3A_312] : memref<2x4x32x128xf32, #tpu.memory_space<vmem>> -> memref<1x4x32x128xf32, #tpu.memory_space<vmem>>
      %dma_start3A_314 = tpu.memref_squeeze %dma_start3A_313 : memref<1x4x32x128xf32, #tpu.memory_space<vmem>> -> memref<4x32x128xf32, #tpu.memory_space<vmem>>
      tpu.enqueue_dma source(%dma_start3A_314 : memref<4x32x128xf32, #tpu.memory_space<vmem>>) target(%dma_start3A_309 : memref<4x32x128xf32, #tpu.memory_space<hbm>>) target_semaphore(%dma_start3A_306 : memref<!tpu.dma_semaphore, #tpu.memory_space<semaphore_mem>>)
      %scan3A_315 = arith.constant 0 : i32
      scf.yield %scan3A_315 : i32
    }
    %scan3A_67 = arith.constant 32 : i32
    %add3A_68 = arith.constant 12 : i32
    %add3A_69 = arith.addi %mul3A_32, %add3A_68 : i32
    %rem3A_70 = arith.constant 62 : i32
    %rem3A_71 = arith.constant 16 : i32
    %rem3A_72 = arith.remsi %rem3A_70, %rem3A_71 : i32
    %mul3A_73 = arith.constant 128 : i32
    %mul3A_74 = arith.muli %rem3A_72, %mul3A_73 : i32
    %dma_wait3A = arith.constant 0 : i32
    %dma_wait3A_75 = arith.constant 0 : i32
    %dma_wait3A_76 = arith.constant 0 : i32
    %dma_wait3A_77 = arith.constant 0 : i32
    %dma_wait3A_78 = arith.constant 0 : i32
    %dma_wait3A_79 = tpu.memref_slice %arg7[%dma_wait3A, %dma_wait3A_76, %dma_wait3A_77, %dma_wait3A_78] : memref<2x4x32x128xf32, #tpu.memory_space<vmem>> -> memref<1x4x32x128xf32, #tpu.memory_space<vmem>>
    %dma_wait3A_80 = tpu.memref_squeeze %dma_wait3A_79 : memref<1x4x32x128xf32, #tpu.memory_space<vmem>> -> memref<4x32x128xf32, #tpu.memory_space<vmem>>
    %dma_wait3A_81 = arith.constant 0 : i32
    %dma_wait3A_82 = tpu.memref_slice %arg4[%select_n3A, %add3A_69, %dma_wait3A_81, %mul3A_74] : memref<8x64x32x2048xf32, #tpu.memory_space<hbm>> -> memref<1x4x32x128xf32, #tpu.memory_space<hbm>>
    %dma_wait3A_83 = tpu.memref_squeeze %dma_wait3A_82 : memref<1x4x32x128xf32, #tpu.memory_space<hbm>> -> memref<4x32x128xf32, #tpu.memory_space<hbm>>
    %dma_wait3A_84 = tpu.memref_slice %arg9[%dma_wait3A_75] : memref<2x!tpu.dma_semaphore, #tpu.memory_space<semaphore_mem>> -> memref<1x!tpu.dma_semaphore, #tpu.memory_space<semaphore_mem>>
    %dma_wait3A_85 = tpu.memref_squeeze %dma_wait3A_84 : memref<1x!tpu.dma_semaphore, #tpu.memory_space<semaphore_mem>> -> memref<!tpu.dma_semaphore, #tpu.memory_space<semaphore_mem>>
    %dma_wait3A_86 = arith.constant 0 : i32
    %dma_wait3A_87 = tpu.memref_slice %arg4[%select_n3A, %add3A_69, %dma_wait3A_86, %mul3A_74] : memref<8x64x32x2048xf32, #tpu.memory_space<hbm>> -> memref<1x4x32x128xf32, #tpu.memory_space<hbm>>
    %dma_wait3A_88 = tpu.memref_squeeze %dma_wait3A_87 : memref<1x4x32x128xf32, #tpu.memory_space<hbm>> -> memref<4x32x128xf32, #tpu.memory_space<hbm>>
    %dma_wait3A_89 = arith.constant 0 : i32
    %dma_wait3A_90 = arith.constant 0 : i32
    %dma_wait3A_91 = arith.constant 0 : i32
    %dma_wait3A_92 = tpu.memref_slice %arg7[%dma_wait3A, %dma_wait3A_89, %dma_wait3A_90, %dma_wait3A_91] : memref<2x4x32x128xf32, #tpu.memory_space<vmem>> -> memref<1x4x32x128xf32, #tpu.memory_space<vmem>>
    %dma_wait3A_93 = tpu.memref_squeeze %dma_wait3A_92 : memref<1x4x32x128xf32, #tpu.memory_space<vmem>> -> memref<4x32x128xf32, #tpu.memory_space<vmem>>
    tpu.wait_dma2 semaphore(%dma_wait3A_85 : memref<!tpu.dma_semaphore, #tpu.memory_space<semaphore_mem>>) src(%dma_wait3A_93 : memref<4x32x128xf32, #tpu.memory_space<vmem>>) dst(%dma_wait3A_88 : memref<4x32x128xf32, #tpu.memory_space<hbm>>)
    %add3A_94 = arith.constant 12 : i32
    %add3A_95 = arith.addi %mul3A_32, %add3A_94 : i32
    %rem3A_96 = arith.constant 63 : i32
    %rem3A_97 = arith.constant 16 : i32
    %rem3A_98 = arith.remsi %rem3A_96, %rem3A_97 : i32
    %mul3A_99 = arith.constant 128 : i32
    %mul3A_100 = arith.muli %rem3A_98, %mul3A_99 : i32
    %dma_wait3A_101 = arith.constant 1 : i32
    %dma_wait3A_102 = arith.constant 1 : i32
    %dma_wait3A_103 = arith.constant 0 : i32
    %dma_wait3A_104 = arith.constant 0 : i32
    %dma_wait3A_105 = arith.constant 0 : i32
    %dma_wait3A_106 = tpu.memref_slice %arg7[%dma_wait3A_101, %dma_wait3A_103, %dma_wait3A_104, %dma_wait3A_105] : memref<2x4x32x128xf32, #tpu.memory_space<vmem>> -> memref<1x4x32x128xf32, #tpu.memory_space<vmem>>
    %dma_wait3A_107 = tpu.memref_squeeze %dma_wait3A_106 : memref<1x4x32x128xf32, #tpu.memory_space<vmem>> -> memref<4x32x128xf32, #tpu.memory_space<vmem>>
    %dma_wait3A_108 = arith.constant 0 : i32
    %dma_wait3A_109 = tpu.memref_slice %arg4[%select_n3A, %add3A_95, %dma_wait3A_108, %mul3A_100] : memref<8x64x32x2048xf32, #tpu.memory_space<hbm>> -> memref<1x4x32x128xf32, #tpu.memory_space<hbm>>
    %dma_wait3A_110 = tpu.memref_squeeze %dma_wait3A_109 : memref<1x4x32x128xf32, #tpu.memory_space<hbm>> -> memref<4x32x128xf32, #tpu.memory_space<hbm>>
    %dma_wait3A_111 = tpu.memref_slice %arg9[%dma_wait3A_102] : memref<2x!tpu.dma_semaphore, #tpu.memory_space<semaphore_mem>> -> memref<1x!tpu.dma_semaphore, #tpu.memory_space<semaphore_mem>>
    %dma_wait3A_112 = tpu.memref_squeeze %dma_wait3A_111 : memref<1x!tpu.dma_semaphore, #tpu.memory_space<semaphore_mem>> -> memref<!tpu.dma_semaphore, #tpu.memory_space<semaphore_mem>>
    %dma_wait3A_113 = arith.constant 0 : i32
    %dma_wait3A_114 = tpu.memref_slice %arg4[%select_n3A, %add3A_95, %dma_wait3A_113, %mul3A_100] : memref<8x64x32x2048xf32, #tpu.memory_space<hbm>> -> memref<1x4x32x128xf32, #tpu.memory_space<hbm>>
    %dma_wait3A_115 = tpu.memref_squeeze %dma_wait3A_114 : memref<1x4x32x128xf32, #tpu.memory_space<hbm>> -> memref<4x32x128xf32, #tpu.memory_space<hbm>>
    %dma_wait3A_116 = arith.constant 0 : i32
    %dma_wait3A_117 = arith.constant 0 : i32
    %dma_wait3A_118 = arith.constant 0 : i32
    %dma_wait3A_119 = tpu.memref_slice %arg7[%dma_wait3A_101, %dma_wait3A_116, %dma_wait3A_117, %dma_wait3A_118] : memref<2x4x32x128xf32, #tpu.memory_space<vmem>> -> memref<1x4x32x128xf32, #tpu.memory_space<vmem>>
    %dma_wait3A_120 = tpu.memref_squeeze %dma_wait3A_119 : memref<1x4x32x128xf32, #tpu.memory_space<vmem>> -> memref<4x32x128xf32, #tpu.memory_space<vmem>>
    tpu.wait_dma2 semaphore(%dma_wait3A_112 : memref<!tpu.dma_semaphore, #tpu.memory_space<semaphore_mem>>) src(%dma_wait3A_120 : memref<4x32x128xf32, #tpu.memory_space<vmem>>) dst(%dma_wait3A_115 : memref<4x32x128xf32, #tpu.memory_space<hbm>>)
    return
  }
}

</mosaic_0001>

<sc_bundles>
// kernel: kernel.3.cloned.1.call-start
scs
__scs_entry_jumppad:
0x0: {  	(pc) =	sbr.rel $0x88, $3  }
0x1: {  	(tag) =	ssettag $0x0;
	lr =	simm.s32 $0x1  }
0x2: {  	[smem:$0x3F9F] =	sst lr;
	_ =	strace $0xD0000000  }
0x3: {  	_ = 	snop  }
0x4: {  	_ = 	snop  }
0x5: {  	_ = 	snop  }
0x6: {  	_ = 	snop  }
0x7: {  	_ = 	snop  }
__scs_overlays_trampoline_lowered:
0x8: {  	[smem:$0x3FAE] =	sst s0  }
0x9: {  	[smem:$0x3FAF] =	sst s1  }
0xa: {  	[smem:$0x3FB0] =	sst s2  }
0xb: {  	[smem:$0x3FB1] =	sst s3  }
0xc: {  	[smem:$0x3FB2] =	sst s4  }
0xd: {  	[smem:$0x3FB3] =	sst s5  }
0xe: {  	[smem:$0x3FB4] =	sst s6  }
0xf: {  	[smem:$0x3FB5] =	sst s7  }
0x10: {  	[smem:$0x3FB6] =	sst s8  }
0x11: {  	[smem:$0x3FB7] =	sst s9;
	s0 =	simm.s32 @!p0 $0x0  }
0x12: {  	s1 =	sld [smem:$0x3F9D];
	s0 =	simm.s32 @p0 $0x1  }
0x13: {  	[smem:$0x3FB8] =	sst s0;
	s0 =	simm.s32 @!p1 $0x0  }
0x14: {  	s2 =	sld [smem:$0x3F9C];
	s0 =	simm.s32 @p1 $0x1  }
0x15: {  	[smem:$0x3FB9] =	sst s0;
	s0 =	simm.s32 @!p2 $0x0  }
0x16: {  	s3 =	sld [smem:$0x3FDB];
	s0 =	simm.s32 @p2 $0x1  }
0x17: {  	s4 =	simm.s32 $0x1BF5;
	[smem:$0x3FBB] =	sst s0  }
0x18: {  	s0 =	sld [smem:$0x3F9E];
	_ =	swait.ge [sflag:s4], $0x0  }
0x19: {  	s7 =	sld [smem:$0x3F9F]  }
0x1a: {  	s8 =	sadd.s32 $0xFFFFE003, lr  }
0x1b: {  	s9 =	sadd.s32 $0xFFFFFEF7, lr;
	s5 =	simm.s32 $0xFFFFFFFF;
	p2 =	slt.u32 s8, $0xFFFFF086  }
0x1c: {  	p1 =	slt.u32 s9, $0xF7A;
	s5 =	simm.s32 @!p2 $0x0  }
0x1d: {  	s5 =	simm.s32 @p1 $0x1;
	p0 =	seq.s32 s7, s2  }
0x1e: {  	s7 =	smul.u32 @!p0 $0xF7A, s2;
	p2 =	seq.s32 @!p0 s5, $0x0  }
0x1f: {  	s9 =	smul.u32 $0xF7A, s1;
	s8 =	simm.s32 @!p0 $0x1BF5;
	p2 =	por !p2, p0  }
0x20: {  	[sflag:s8] =	ssyncset.s32 @!p0 $0xFFFFF086;
	s6 =	sadd.s32 @!p0 s3, s7;
	s7 =	simm.s32 @!p0 $0x108  }
0x21: {  	s3 =	sadd.s32 s3, s9;
	s6 =	sadd.s32 @!p0 $0x88, s6;
	s7 =	simm.s32 @p2 $0x1082  }
0x22: {  	[simem:s7], [sflag:s8] =	dma.local @!p0 [hbm:s6], $0xF7A  }
0x23: {  	s9 =	sor.u32 $0xD0000000, s2;
	s6 =	simm.s32 $0x108;
	_ =	swait.ge @!p0 [sflag:s8], $0x0  }
0x24: {  	s3 =	sadd.s32 $0x88, s3;
	s6 =	simm.s32 @!p1 $0x1082;
	[sflag:s4] =	ssyncset.s32 $0xFFFFF086  }
0x25: {  	[simem:s6], [sflag:s4] =	dma.local [hbm:s3], $0xF7A  }
0x26: {  	[smem:$0x3F9F] =	sst s1;
	(tag) =	ssettag s2;
	_ =	strace s9  }
0x27: {  	s1 =	sld [smem:$0x3FAF]  }
0x28: {  	s2 =	sld [smem:$0x3FB0]  }
0x29: {  	s4 =	sld [smem:$0x3FB2]  }
0x2a: {  	p0 =	seq.s32 s5, $0x0;
	s5 =	sld [smem:$0x3FB3]  }
0x2b: {  	s6 =	sld [smem:$0x3FB4]  }
0x2c: {  	s7 =	sld [smem:$0x3FB5]  }
0x2d: {  	s3 =	simm.s32 $0x108;
	s8 =	sld [smem:$0x3FB6]  }
0x2e: {  	s3 =	simm.s32 @!p0 $0x1082;
	s9 =	sld [smem:$0x3FB7]  }
0x2f: {  	lr =	sadd.s32 s0, s3;
	s0 =	sld [smem:$0x3FAE]  }
0x30: {  	s3 =	sld [smem:$0x3FB1]  }
0x31: {  	[smem:$0x3FBA] =	sst s10  }
0x32: {  	s10 =	sld [smem:$0x3FB8];
	_ =	sdelay $0x3  }
0x33: {  	p0 =	seq.s32 s10, $0x1;
	s10 =	sld [smem:$0x3FBA];
	_ =	sdelay $0x3  }
0x34: {  	[smem:$0x3FBA] =	sst s10  }
0x35: {  	s10 =	sld [smem:$0x3FB9];
	_ =	sdelay $0x3  }
0x36: {  	p1 =	seq.s32 s10, $0x1;
	s10 =	sld [smem:$0x3FBA];
	_ =	sdelay $0x3  }
0x37: {  	[smem:$0x3FBA] =	sst s10  }
0x38: {  	s10 =	sld [smem:$0x3FBB]  }
0x39: {  	_ = 	snop;
	(pc) =	sbr.ind lr, $3  }
0x3a: {  	_ = 	snop  }
0x3b: {  	_ = 	snop  }
0x3c: {  	p2 =	seq.s32 s10, $0x1;
	s10 =	sld [smem:$0x3FBA]  }
0x3d: {  	_ =	shalt  }
0x3e: {  	_ =	shalt  }
0x3f: {  	_ =	shalt  }
0x40: {  	_ =	shalt  }
0x41: {  	_ =	shalt  }
0x42: {  	_ =	shalt  }
0x43: {  	_ =	shalt  }
0x44: {  	_ =	shalt  }
0x45: {  	_ =	shalt  }
0x46: {  	_ =	shalt  }
0x47: {  	_ =	shalt  }
0x48: {  	_ =	shalt  }
0x49: {  	_ =	shalt  }
0x4a: {  	_ =	shalt  }
0x4b: {  	_ =	shalt  }
0x4c: {  	_ =	shalt  }
0x4d: {  	_ =	shalt  }
0x4e: {  	_ =	shalt  }
0x4f: {  	_ =	shalt  }
0x50: {  	_ =	shalt  }
0x51: {  	_ =	shalt  }
0x52: {  	_ =	shalt  }
0x53: {  	_ =	shalt  }
0x54: {  	_ =	shalt  }
0x55: {  	_ =	shalt  }
0x56: {  	_ =	shalt  }
0x57: {  	_ =	shalt  }
0x58: {  	_ =	shalt  }
0x59: {  	_ =	shalt  }
0x5a: {  	_ =	shalt  }
0x5b: {  	_ =	shalt  }
0x5c: {  	_ =	shalt  }
0x5d: {  	_ =	shalt  }
0x5e: {  	_ =	shalt  }
0x5f: {  	_ =	shalt  }
0x60: {  	_ =	shalt  }
0x61: {  	_ =	shalt  }
0x62: {  	_ =	shalt  }
0x63: {  	_ =	shalt  }
0x64: {  	_ =	shalt  }
0x65: {  	_ =	shalt  }
0x66: {  	_ =	shalt  }
0x67: {  	_ =	shalt  }
0x68: {  	_ =	shalt  }
0x69: {  	_ =	shalt  }
0x6a: {  	_ =	shalt  }
0x6b: {  	_ =	shalt  }
0x6c: {  	_ =	shalt  }
0x6d: {  	_ =	shalt  }
0x6e: {  	_ =	shalt  }
0x6f: {  	_ =	shalt  }
0x70: {  	_ =	shalt  }
0x71: {  	_ =	shalt  }
0x72: {  	_ =	shalt  }
0x73: {  	_ =	shalt  }
0x74: {  	_ =	shalt  }
0x75: {  	_ =	shalt  }
0x76: {  	_ =	shalt  }
0x77: {  	_ =	shalt  }
0x78: {  	_ =	shalt  }
0x79: {  	_ =	shalt  }
0x7a: {  	_ =	shalt  }
0x7b: {  	_ =	shalt  }
0x7c: {  	_ =	shalt  }
0x7d: {  	_ =	shalt  }
0x7e: {  	_ =	shalt  }
0x7f: {  	_ =	shalt  }
0x80: {  	_ =	shalt  }
0x81: {  	_ =	shalt  }
0x82: {  	_ =	shalt  }
0x83: {  	_ =	shalt  }
0x84: {  	_ =	shalt  }
0x85: {  	_ =	shalt  }
0x86: {  	_ =	shalt  }
0x87: {  	_ =	shalt  }
.Lfunc_end0:
.L_simem_size_0:
called_computation_lowered:
.L_overlay_start_0:
0x88: {  	s2 =	sld [smem:$0x3FD9]  }
0x89: {  	s3 =	sld [smem:$0x3FFE];
	_ =	sdelay $0x1  }
0x8a: {  	s1 =	srdreg.scid  }
0x8b: {  	s0 =	sand.u32 $0x1, s1  }
0x8c: {  	s18 =	sshll.u32 s0, $0xA;
	s2 =	sadd.s32 s3, s2  }
0x8d: {  	s2 =	sadd.s32 s2, s18  }
0x8e: {  	[smem:$0x3FC6] =	sst s2  }
0x8f: {  	_ = 	snop  }
0x90: {  	s2 =	sld [smem:$0x3FC9]  }
0x91: {  	s19 =	sld [smem:$0x3FC8]  }
0x92: {  	s4 =	sld [smem:$0x3FD0];
	(tm) =	ssettm $0x1  }
0x93: {  	s5 =	sld [smem:$0x3FFB];
	_ =	sdelay $0x3  }
0x94: {  	_ =	strace s5  }
0x95: {  	s5 =	sld [smem:$0x3FFC];
	_ =	sdelay $0x3  }
0x96: {  	_ =	strace s5  }
0x97: {  	s5 =	sld [smem:$0x3FFD];
	_ =	sdelay $0x3  }
0x98: {  	_ =	strace s5  }
0x99: {  	_ =	strace $0x8FFFFFFF  }
0x9a: {  	s20 =	sld [smem:$0x3FDB];
	_ =	sdelay $0x1  }
0x9b: {  	s6 =	simm.s32 $_scs_section_size  }
0x9c: {  	s7 =	simm.s32 $_size__tile_overlayer_lowered;
	s8 =	simm.s32 $_tile_overlayer_lowered  }
0x9d: {  	s23 =	simm.s32 $0x1BFF;
	s22 =	sshll.u32 s8, $0x1;
	s5 =	sadd.s32 s6, s20  }
0x9e: {  	s9 =	simm.s32 $0x0;
	s21 =	sshll.u32 s7, $0x1;
	s7 =	sadd.s32 s22, s5  }
0x9f: {  	[timem:s9], [sflag:s23] =	dma.local [hbm:s7], s21  }
0xa0: {  	_ =	swait.ge [sflag:s23], s21  }
0xa1: {  	s6 =	ssub.s32 $0x0, s21;
	[sflag:s23] =	ssyncset.done $0x0  }
0xa2: {  	[sflag:s23] =	ssyncadd.s32 s6;
	_ =	sdelay $0x1  }
0xa3: {  	s24 =	simm.s32 $0x1B8B  }
0xa4: {  	_ =	swait.ge [sflag:s24], $0x1  }
0xa5: {  	[sflag:s24] =	ssyncset.done $0x0  }
0xa6: {  	s25 =	simm.s32 $0x1B8E;
	[sflag:s24] =	ssyncadd.s32 $0xFFFFFFFF  }
0xa7: {  	s26 =	simm.s32 $execute0_lowered;
	[smem:$0x3FD2] =	sst s25  }
0xa8: {  	s6 =	sshll.u32 s26, $0x1;
	_ =	strace $0x80000046;
	[dreg:$0x1] =	wrdreg $0xFFFFFFFF  }
0xa9: {  	s28 =	simm.s32 $_size_execute0_lowered;
	s5 =	sadd.s32 s5, s6;
	[dreg:$0x0] =	wrdreg $0x0  }
0xaa: {  	s6 =	sshll.u32 s28, $0x1;
	[dreg:$0x2] =	wrdreg s5  }
0xab: {  	[dreg:$0x3] =	wrdreg s6  }
0xac: {  	[dreg:$0x4] =	wrdreg $0xC0  }
0xad: {  	_ =	task [dreg:s9], $0x5FFFF  }
0xae: {  	[dreg:$0x1] =	wrdreg $0xFFFFFFFF  }
0xaf: {  	[dreg:$0x0] =	wrdreg $0x60  }
0xb0: {  	[dreg:$0x2] =	wrdreg s2  }
0xb1: {  	[dreg:$0x3] =	wrdreg s19  }
0xb2: {  	[dreg:$0x4] =	wrdreg s4  }
0xb3: {  	[dreg:$0x5] =	wrdreg $0x9  }
0xb4: {  	_ =	task.clear_ibuf [dreg:s9], $0x6FFFF;
	_ =	strace $0x90000046  }
0xb5: {  	s29 =	simm.s32 $0x9;
	_ =	strace $0x80000048  }
0xb6: {  	_ =	swait.ge [sflag:s29], $0x1  }
0xb7: {  	[sflag:s29] =	ssyncadd.s32 $0xFFFFFFFF  }
0xb8: {  	_ =	strace $0x90000048  }
0xb9: {  	_ =	sfence  }
0xba: {  	s30 =	sld [smem:$0x0];
	_ =	sdelay $0x2  }
0xbb: {  	s31 =	sshll.u32 s1, $0xD;
	s1 =	sshrl.u32 s1, $0x2  }
0xbc: {  	s3 =	sand.u32 $0x4000, s31;
	s1 =	sadd.s32 s1, s30  }
0xbd: {  	s0 =	sor.u32 s3, s0;
	s1 =	sshll.u32 s1, $0x11  }
0xbe: {  	s0 =	sor.u32 s1, s0  }
0xbf: {  	s0 =	sadd.s32 $0x8F2B, s0  }
0xc0: {  	[sflag:s0] =	ssyncadd.remote.s32 $0x1  }
0xc1: {  	_ =	sfence.sel $0xFFFF  }
0xc2: {  	[dreg:$0x0] =	wrdreg $0xFFFFFFFF;
	(pc) =	sbr.abs _section_cstart, $3  }
0xc3: {  	[dreg:$0x1] =	wrdreg $0xFFFFFFFF  }
0xc4: {  	_ =	task.clear_ibuf [dreg:s9], $0x2FFFF;
	_ =	strace $0x9FFFFFFF  }
0xc5: {  	(tm) =	ssettm $0x7FFFFFFF  }
tec
execute0_lowered:
.L_overlay_start_1:
0x0: {  	(tag) =	ssettag $0x1  }
0x1: {  	s0 =	rddreg [dreg:$0x0]  }
0x2: {  	s1 =	rddreg [dreg:$0x1]  }
0x3: {  	s2 =	rddreg [dreg:$0x2];
	s4 =	simm.s32 $0x0;
	s5 =	srdreg.scid  }
0x4: {  	s3 =	stileid.u32;
	s12 =	simm.s32 $0x4000;
	s13 =	simm.s32 $0x10000  }
0x5: {  	s14 =	simm.s32 $0x1;
	s15 =	simm.s32 $0x11000;
	s16 =	simm.s32 $0x5  }
0x6: {  	s17 =	simm.s32 $0x12000;
	s18 =	simm.s32 $0x2;
	s19 =	simm.s32 $0x16000  }
0x7: {  	s20 =	simm.s32 $0x3;
	s21 =	simm.s32 $0x4;
	s22 =	simm.s32 $0x0  }
0x8: {  	[smem:$0x7FF] =	sst s4;
	s5 =	sand.u32 $0x1, s5;
	s7 =	sshll.u32 s3, $0x1  }
0x9: {  	s9 =	sshrl.u32 s3, $0x1;
	_ =	strace $0x80000047;
	s6 =	ssub.s32 $0x2, s5  }
0xa: {  	s7 =	sand.u32 $0x2, s7;
	s30 =	sshll.u32 s9, $0x11;
	s31 =	sshll.u32 s9, $0xD  }
0xb: {  	s8 =	sshrl.u32 s6, $0x1;
	s11 =	sor.u32 s5, s7;
	s0 =	sadd.s32 s0, s30  }
0xc: {  	s5 =	sshll.u32 s9, $0x10;
	s10 =	ssub.s32 s6, s8;
	s7 =	sshll.u32 s11, $0xF  }
0xd: {  	s6 =	sadd.s32 s1, s31;
	s8 =	sshll.u32 s9, $0x16;
	s9 =	sshll.u32 s11, $0x14  }
0xe: {  	s11 =	simm.s32 $0x400;
	s7 =	sadd.s32 s7, s0;
	s10 =	smax.u32 s10, $0x1  }
.LBB2_1:
0xf: {  	[tilespmem:s13], [sflag:$0x1] =	stream.strided.gather [hbm4b:s6+s11], $0x1000, s12, s11, $0x38;
	[tilespmem:$0x1A000] =	vst v63  }
0x10: {  	s23 =	simm.s32 $0x0  }
.LBB2_2:
0x11: {  	s0 =	sand.u32 $0x7, s23  }
0x12: {  	p0 =	sne.s32 s0, $0x0  }
0x13: {  	s24 =	sshll.u32 @!p0 s23, $0xA  }
0x14: {  	s25 =	sshll.u32 @!p0 s23, $0x3;
	s24 =	sand.u32 @!p0 $0x4000, s24  }
0x15: {  	s26 =	simm.s32 @!p0 $0x400;
	s25 =	sand.u32 @!p0 $0x40, s25;
	s24 =	sadd.s32 @!p0 s24, s7  }
0x16: {  	s28 =	simm.s32 @!p0 $0x0;
	s24 =	sadd.s32 @!p0 s25, s24;
	s25 =	simm.s32 @!p0 $0x200  }
0x17: {  	[tilespmem:s28], [sflag:$0x5] =	stream.strided.gather @!p0 [hbm4b:s24+s25], $0x10000, s26, s25, $0x38;
	[tilespmem:$0x1A000] =	vst v63  }
0x18: {  	s25 =	sshll.u32 s23, $0xB  }
0x19: {  	s28 =	sand.u32 $0x3800, s25  }
0x1a: {  	s24 =	sor.u32 $0x400, s28  }
0x1b: {  	_ =	swait.ge [sflag:s14], $0x1000;
	s3 =	sor.u32 s5, s24  }
0x1c: {  	[sflag:s14] =	ssyncset.done $0x0;
	s26 =	sshrl.u32 s3, $0x3  }
0x1d: {  	p0 =	seq.s32 s23, $0x0;
	[sflag:s14] =	ssyncadd.s32 $0xFFFFF000;
	s26 =	sadd.s32 s1, s26  }
0x1e: {  	[tilespmem:s15], [sflag:$0x2] =	stream.strided.gather [hbm4b:s26+s11], $0x1000, s12, s11, $0x38;
	[tilespmem:$0x1A000] =	vst v63  }
0x1f: {  	s26 =	simm.s32 @!p0 $0x3  }
0x20: {  	_ =	swait.ge @!p0 [sflag:s26], $0x4000  }
0x21: {  	p1 =	sne.s32 @!p0 s0, $0x0;
	[sflag:s26] =	ssyncset.done @!p0 $0x0  }
0x22: {  	p1 =	por p0, !p1;
	[sflag:s26] =	ssyncadd.s32 @!p0 $0xFFFFC000  }
0x23: {  	s26 =	simm.s32 $0x0;
	_ =	swait.ge @p1 [sflag:s16], $0x10000  }
0x24: {  	s3 =	sand.u32 $0x70, s26;
	s0 =	sand.u32 $0xC00, s26;
	[sflag:s16] =	ssyncset.done @p1 $0x0  }
0x25: {  	s29 =	sor.u32 s3, s0;
	[sflag:s16] =	ssyncadd.s32 @p1 $0xFFFF0000  }
0x26: {  	v0 =	vld [tilespmem:s29+$0x10000]  }
0x27: {  	v1 =	vld [tilespmem:s29+$0x10080]  }
0x28: {  	v2 =	vld [tilespmem:s29+$0x10100];
	_ =	sdelay $0x2  }
0x29: {  	v5 =	vld [tilespmem:s29+$0x10280]  }
0x2a: {  	v6 =	vld [tilespmem:s29+$0x10200];
	v3 =	vand.u32 $0x7F, v0;
	v0 =	vshll.u32 v0, $0x2  }
0x2b: {  	v4 =	vshll.u32 v1, $0x2;
	v7 =	vshll.u32 v2, $0x2;
	v0 =	vand.u32 $0xFFFFFE00, v0  }
0x2c: {  	v8 =	vld [tilespmem:s29+$0x10300];
	v9 =	vor.u32 v3, v0;
	v0 =	vand.u32 $0x7F, v2;
	v2 =	vand.u32 $0xFFFFFE00, v7  }
0x2d: {  	v1 =	vand.u32 $0x7F, v1;
	v4 =	vand.u32 $0xFFFFFE00, v4;
	v3 =	vor.u32 v0, v2  }
0x2e: {  	v4 =	vor.u32 v1, v4;
	v1 =	vshll.u32 v5, $0x2;
	v0 =	vld [tilespmem:s29+$0x10380]  }
0x2f: {  	v7 =	vshll.u32 v6, $0x2;
	v2 =	vand.u32 $0x7F, v5;
	v1 =	vand.u32 $0xFFFFFE00, v1  }
0x30: {  	v10 =	vld [tilespmem:s29+$0x10180];
	v6 =	vand.u32 $0x7F, v6;
	v5 =	vor.u32 v2, v1;
	v1 =	vand.u32 $0xFFFFFE00, v7  }
0x31: {  	v2 =	vshll.u32 v8, $0x2;
	v1 =	vor.u32 v6, v1;
	v7 =	vld.idx.msk [tilespmem:v9+s4+$0x0], $0xffff  }
0x32: {  	v12 =	vor.u32 $0x80, v9;
	v8 =	vand.u32 $0x7F, v8;
	v2 =	vand.u32 $0xFFFFFE00, v2;
	v11 =	vld.idx.msk [tilespmem:v3+s4+$0x0], $0xffff  }
0x33: {  	v6 =	vshll.u32 v0, $0x2;
	v14 =	vand.u32 $0x7F, v0;
	v0 =	vor.u32 v8, v2  }
0x34: {  	v13 =	vor.u32 $0x80, v3;
	v15 =	vld.idx.msk [tilespmem:v4+s4+$0x0], $0xffff  }
0x35: {  	v16 =	vor.u32 $0x80, v4;
	v2 =	vshll.u32 v10, $0x2;
	v6 =	vand.u32 $0xFFFFFE00, v6;
	v8 =	vld.idx.msk [tilespmem:v5+s4+$0x0], $0xffff  }
0x36: {  	v10 =	vand.u32 $0x7F, v10;
	v2 =	vand.u32 $0xFFFFFE00, v2;
	v6 =	vor.u32 v14, v6;
	v14 =	vld.idx.msk [tilespmem:v1+s4+$0x0], $0xffff;
	[tilespmem:s29+$0x12000] =	vst v7  }
0x37: {  	v2 =	vor.u32 v10, v2;
	[tilespmem:s29+$0x12100] =	vst v11;
	v11 =	vld.idx.msk [tilespmem:v12+s4+$0x0], $0xffff  }
0x38: {  	v7 =	vor.u32 $0x80, v5;
	v12 =	vld.idx.msk [tilespmem:v0+s4+$0x0], $0xffff  }
0x39: {  	[tilespmem:s29+$0x12080] =	vst v15;
	v10 =	vld.idx.msk [tilespmem:v13+s4+$0x0], $0xffff;
	v13 =	vor.u32 $0x100, v9  }
0x3a: {  	v17 =	vor.u32 $0x80, v0;
	v16 =	vld.idx.msk [tilespmem:v16+s4+$0x0], $0xffff;
	[tilespmem:s29+$0x12280] =	vst v8  }
0x3b: {  	v8 =	vld.idx.msk [tilespmem:v6+s4+$0x0], $0xffff;
	[tilespmem:s29+$0x12200] =	vst v14;
	v14 =	vor.u32 $0x80, v1  }
0x3c: {  	v15 =	vor.u32 $0x80, v6;
	v18 =	vld.idx.msk [tilespmem:v2+s4+$0x0], $0xffff  }
0x3d: {  	v21 =	vor.u32 $0x100, v3;
	v7 =	vld.idx.msk [tilespmem:v7+s4+$0x0], $0xffff;
	[tilespmem:s29+$0x13000] =	vst v11  }
0x3e: {  	v11 =	vor.u32 $0x100, v4;
	[tilespmem:s29+$0x12300] =	vst v12;
	v20 =	vld.idx.msk [tilespmem:v13+s4+$0x0], $0xffff  }
0x3f: {  	v19 =	vor.u32 $0x100, v5;
	v17 =	vld.idx.msk [tilespmem:v17+s4+$0x0], $0xffff;
	[tilespmem:s29+$0x13100] =	vst v10  }
0x40: {  	v10 =	vor.u32 $0x180, v9;
	[tilespmem:s29+$0x12380] =	vst v8;
	v12 =	vld.idx.msk [tilespmem:v14+s4+$0x0], $0xffff  }
0x41: {  	[tilespmem:s29+$0x13080] =	vst v16;
	v14 =	vor.u32 $0x80, v2;
	v13 =	vld.idx.msk [tilespmem:v15+s4+$0x0], $0xffff  }
0x42: {  	[tilespmem:s29+$0x12180] =	vst v18;
	v8 =	vld.idx.msk [tilespmem:v21+s4+$0x0], $0xffff;
	v15 =	vor.u32 $0x100, v6  }
0x43: {  	[tilespmem:s29+$0x13280] =	vst v7;
	v11 =	vld.idx.msk [tilespmem:v11+s4+$0x0], $0xffff  }
0x44: {  	v9 =	vld.idx.msk [tilespmem:v19+s4+$0x0], $0xffff;
	[tilespmem:s29+$0x14000] =	vst v20  }
0x45: {  	s30 =	simm.s32 $0x400;
	s31 =	simm.s32 $0x4;
	s26 =	simm.s32 $0x0;
	v7 =	vor.u32 $0x100, v0;
	[tilespmem:s29+$0x13300] =	vst v17;
	v10 =	vld.idx.msk [tilespmem:v10+s4+$0x0], $0xffff  }
.LBB2_3:
0x46: {  	s0 =	sand.u32 $0x70, s31;
	s3 =	sand.u32 $0xC00, s30;
	s26 =	sadd.s32 $0x8, s26;
	v14 =	vld.idx.msk [tilespmem:v14+s4+$0x0], $0xffff;
	[tilespmem:s29+$0x13380] =	vst v13  }
0x47: {  	s0 =	sor.u32 s0, s3;
	p0 =	slt.u32 s26, $0xF8;
	[tilespmem:s29+$0x13200] =	vst v12;
	v12 =	vld.idx.msk [tilespmem:v15+s4+$0x0], $0xffff  }
0x48: {  	v13 =	vld [tilespmem:s0+$0x10000];
	[tilespmem:s29+$0x14080] =	vst v11  }
0x49: {  	v11 =	vld [tilespmem:s0+$0x10080];
	[tilespmem:s29+$0x14280] =	vst v9  }
0x4a: {  	v9 =	vld [tilespmem:s0+$0x10100];
	[tilespmem:s29+$0x14100] =	vst v8  }
0x4b: {  	v8 =	vld [tilespmem:s0+$0x10180];
	[tilespmem:s29+$0x15000] =	vst v10;
	v10 =	vor.u32 $0x180, v3;
	v3 =	vor.u32 $0x180, v6  }
0x4c: {  	v5 =	vor.u32 $0x180, v5;
	v15 =	vor.u32 $0x180, v4;
	v6 =	vld [tilespmem:s0+$0x10200];
	[tilespmem:s29+$0x13180] =	vst v14;
	v14 =	vor.u32 $0x100, v2  }
0x4d: {  	v17 =	vor.u32 $0x100, v1;
	v4 =	vand.u32 $0x7F, v13;
	v13 =	vshll.u32 v13, $0x2;
	v16 =	vld [tilespmem:s0+$0x10280];
	[tilespmem:s29+$0x14380] =	vst v12  }
0x4e: {  	v12 =	vand.u32 $0xFFFFFE00, v13;
	v13 =	vand.u32 $0x7F, v11;
	v11 =	vshll.u32 v11, $0x2;
	v18 =	vld [tilespmem:s0+$0x10300]  }
0x4f: {  	v12 =	vor.u32 v4, v12;
	v19 =	vand.u32 $0x7F, v9;
	v4 =	vshll.u32 v9, $0x2;
	v9 =	vld [tilespmem:s0+$0x10380]  }
0x50: {  	v11 =	vand.u32 $0xFFFFFE00, v11;
	v20 =	vand.u32 $0xFFFFFE00, v4;
	v21 =	vshll.u32 v8, $0x2;
	v22 =	vld.idx.msk [tilespmem:v3+s4+$0x0], $0xffff  }
0x51: {  	v4 =	vor.u32 v13, v11;
	v3 =	vor.u32 v19, v20;
	v11 =	vand.u32 $0xFFFFFE00, v21;
	v13 =	vld.idx.msk [tilespmem:v15+s4+$0x0], $0xffff  }
0x52: {  	v8 =	vand.u32 $0x7F, v8;
	v15 =	vand.u32 $0x7F, v6;
	v19 =	vshll.u32 v16, $0x2;
	v20 =	vld.idx.msk [tilespmem:v5+s4+$0x0], $0xffff  }
0x53: {  	v5 =	vand.u32 $0x7F, v16;
	v16 =	vand.u32 $0xFFFFFE00, v19;
	v19 =	vshll.u32 v18, $0x2;
	v17 =	vld.idx.msk [tilespmem:v17+s4+$0x0], $0xffff  }
0x54: {  	v8 =	vor.u32 v8, v11;
	v21 =	vld.idx.msk [tilespmem:v12+s4+$0x0], $0xffff;
	v5 =	vor.u32 v5, v16;
	v11 =	vand.u32 $0x7F, v9  }
0x55: {  	v6 =	vshll.u32 v6, $0x2;
	v16 =	vand.u32 $0xFFFFFE00, v19;
	v9 =	vshll.u32 v9, $0x2;
	v14 =	vld.idx.msk [tilespmem:v14+s4+$0x0], $0xffff  }
0x56: {  	v23 =	vor.u32 $0x180, v1;
	v6 =	vand.u32 $0xFFFFFE00, v6;
	v9 =	vand.u32 $0xFFFFFE00, v9;
	v19 =	vld.idx.msk [tilespmem:v3+s4+$0x0], $0xffff;
	[tilespmem:s29+$0x15380] =	vst v22  }
0x57: {  	v1 =	vor.u32 v15, v6;
	v22 =	vor.u32 $0x80, v12;
	v24 =	vld.idx.msk [tilespmem:v4+s4+$0x0], $0xffff;
	[tilespmem:s29+$0x15080] =	vst v13  }
0x58: {  	v13 =	vor.u32 $0x80, v3;
	v10 =	vld.idx.msk [tilespmem:v10+s4+$0x0], $0xffff;
	[tilespmem:s29+$0x15280] =	vst v20  }
0x59: {  	v18 =	vand.u32 $0x7F, v18;
	v6 =	vor.u32 v11, v9;
	v15 =	vld.idx.msk [tilespmem:v5+s4+$0x0], $0xffff;
	[tilespmem:s29+$0x14200] =	vst v17  }
0x5a: {  	v9 =	vor.u32 v18, v16;
	[tilespmem:s0+$0x12000] =	vst v21;
	v7 =	vld.idx.msk [tilespmem:v7+s4+$0x0], $0xffff  }
0x5b: {  	v11 =	vor.u32 $0x80, v5;
	[tilespmem:s29+$0x14180] =	vst v14;
	v14 =	vld.idx.msk [tilespmem:v23+s4+$0x0], $0xffff  }
0x5c: {  	v16 =	vor.u32 $0x80, v4;
	[tilespmem:s0+$0x12100] =	vst v19;
	v17 =	vld.idx.msk [tilespmem:v1+s4+$0x0], $0xffff  }
0x5d: {  	v18 =	vld.idx.msk [tilespmem:v22+s4+$0x0], $0xffff;
	[tilespmem:s0+$0x12080] =	vst v24  }
0x5e: {  	v13 =	vld.idx.msk [tilespmem:v13+s4+$0x0], $0xffff;
	[tilespmem:s29+$0x15100] =	vst v10;
	v10 =	vor.u32 $0x180, v2;
	v2 =	vmov v8  }
0x5f: {  	v19 =	vor.u32 $0x180, v0;
	v0 =	vmov v9;
	v8 =	vor.u32 $0x100, v3;
	[tilespmem:s0+$0x12280] =	vst v15;
	v15 =	vld.idx.msk [tilespmem:v6+s4+$0x0], $0xffff  }
0x60: {  	v9 =	vld.idx.msk [tilespmem:v9+s4+$0x0], $0xffff;
	[tilespmem:s29+$0x14300] =	vst v7  }
0x61: {  	v20 =	vor.u32 $0x80, v0;
	v7 =	vor.u32 $0x100, v12;
	v11 =	vld.idx.msk [tilespmem:v11+s4+$0x0], $0xffff;
	[tilespmem:s29+$0x15200] =	vst v14  }
0x62: {  	v14 =	vld.idx.msk [tilespmem:v16+s4+$0x0], $0xffff;
	[tilespmem:s0+$0x12200] =	vst v17;
	v16 =	vor.u32 $0x100, v5  }
0x63: {  	v17 =	vor.u32 $0x80, v6;
	[tilespmem:s0+$0x13000] =	vst v18;
	v10 =	vld.idx.msk [tilespmem:v10+s4+$0x0], $0xffff  }
0x64: {  	v18 =	vor.u32 $0x80, v1;
	[tilespmem:s0+$0x13100] =	vst v13;
	v19 =	vld.idx.msk [tilespmem:v19+s4+$0x0], $0xffff  }
0x65: {  	v21 =	vor.u32 $0x100, v4;
	v22 =	vld.idx.msk [tilespmem:v2+s4+$0x0], $0xffff;
	[tilespmem:s0+$0x12380] =	vst v15  }
0x66: {  	v23 =	vld.idx.msk [tilespmem:v7+s4+$0x0], $0xffff;
	[tilespmem:s0+$0x12300] =	vst v9  }
0x67: {  	[tilespmem:s0+$0x13280] =	vst v11;
	v20 =	vld.idx.msk [tilespmem:v20+s4+$0x0], $0xffff  }
0x68: {  	v24 =	vor.u32 $0x180, v12;
	v7 =	vor.u32 $0x100, v0;
	[tilespmem:s0+$0x13080] =	vst v14;
	v13 =	vld.idx.msk [tilespmem:v17+s4+$0x0], $0xffff  }
.Ltmp0:
0x69: {  	v14 =	vor.u32 $0x80, v2;
	v12 =	vld.idx.msk [tilespmem:v18+s4+$0x0], $0xffff;
	[tilespmem:s29+$0x15180] =	vst v10;
	(pc) =	sbr.rel @p0 .LBB2_3-.Ltmp0, $4  }
0x6a: {  	v15 =	vor.u32 $0x100, v6;
	v11 =	vld.idx.msk [tilespmem:v21+s4+$0x0], $0xffff;
	[tilespmem:s29+$0x15300] =	vst v19;
	s29 =	smov.u32 s0  }
0x6b: {  	[tilespmem:s29+$0x12180] =	vst v22;
	v9 =	vld.idx.msk [tilespmem:v16+s4+$0x0], $0xffff  }
0x6c: {  	[tilespmem:s29+$0x14000] =	vst v23;
	v8 =	vld.idx.msk [tilespmem:v8+s4+$0x0], $0xffff  }
0x6d: {  	s30 =	sadd.s32 $0x400, s30;
	s31 =	sadd.s32 $0x4, s31;
	v10 =	vld.idx.msk [tilespmem:v24+s4+$0x0], $0xffff;
	[tilespmem:s29+$0x13300] =	vst v20  }
0x6e: {  	_ =	sdelay $0x3  }
0x6f: {  	[tilespmem:s29+$0x13380] =	vst v13;
	v14 =	vld.idx.msk [tilespmem:v14+s4+$0x0], $0xffff;
	v4 =	vor.u32 $0x180, v4  }
0x70: {  	v13 =	vld.idx.msk [tilespmem:v15+s4+$0x0], $0xffff;
	v15 =	vor.u32 $0x100, v1  }
0x71: {  	v16 =	vor.u32 $0x100, v2;
	[tilespmem:s29+$0x13200] =	vst v12  }
0x72: {  	v5 =	vor.u32 $0x180, v5;
	v7 =	vld.idx.msk [tilespmem:v7+s4+$0x0], $0xffff;
	[tilespmem:s29+$0x14080] =	vst v11  }
0x73: {  	v3 =	vor.u32 $0x180, v3;
	[tilespmem:s29+$0x14280] =	vst v9  }
0x74: {  	v0 =	vor.u32 $0x180, v0;
	[tilespmem:s29+$0x14100] =	vst v8;
	v4 =	vld.idx.msk [tilespmem:v4+s4+$0x0], $0xffff  }
0x75: {  	v6 =	vor.u32 $0x180, v6;
	[tilespmem:s29+$0x13180] =	vst v14;
	v11 =	vld.idx.msk [tilespmem:v15+s4+$0x0], $0xffff  }
0x76: {  	v1 =	vor.u32 $0x180, v1;
	[tilespmem:s29+$0x15000] =	vst v10;
	v9 =	vld.idx.msk [tilespmem:v16+s4+$0x0], $0xffff  }
0x77: {  	v2 =	vor.u32 $0x180, v2;
	v5 =	vld.idx.msk [tilespmem:v5+s4+$0x0], $0xffff;
	[tilespmem:s29+$0x14300] =	vst v7  }
0x78: {  	v3 =	vld.idx.msk [tilespmem:v3+s4+$0x0], $0xffff;
	[tilespmem:s29+$0x14380] =	vst v13  }
0x79: {  	v0 =	vld.idx.msk [tilespmem:v0+s4+$0x0], $0xffff;
	[tilespmem:s29+$0x15080] =	vst v4  }
0x7a: {  	v6 =	vld.idx.msk [tilespmem:v6+s4+$0x0], $0xffff;
	[tilespmem:s29+$0x14200] =	vst v11  }
0x7b: {  	[tilespmem:s29+$0x14180] =	vst v9;
	v1 =	vld.idx.msk [tilespmem:v1+s4+$0x0], $0xffff  }
0x7c: {  	s0 =	sshll.u32 s23, $0xF;
	[tilespmem:s29+$0x15280] =	vst v5;
	v2 =	vld.idx.msk [tilespmem:v2+s4+$0x0], $0xffff  }
0x7d: {  	s0 =	sand.u32 $0xC0000, s0;
	[tilespmem:s29+$0x15100] =	vst v3  }
0x7e: {  	s3 =	sor.u32 s8, s28;
	s26 =	sor.u32 s9, s0;
	[tilespmem:s29+$0x15300] =	vst v0  }
0x7f: {  	s0 =	sor.u32 s26, s3;
	[tilespmem:s29+$0x15380] =	vst v6  }
0x80: {  	s0 =	sshrl.u32 s0, $0x3;
	[tilespmem:s29+$0x15200] =	vst v1  }
0x81: {  	p0 =	seq.s32 s23, $0x1F;
	s0 =	sadd.s32 s2, s0;
	[tilespmem:s29+$0x15180] =	vst v2  }
0x82: {  	[hbm4b:s0+s11] =	stream.strided.scatter [tilespmem:s17], [sflag:$0x3], $0x4000, s12, s11, $0x38;
	[tilespmem:$0x1A000] =	vst v63  }
0x83: {  	s0 =	sadd.s32 @!p0 $0x800, s25  }
0x84: {  	p1 =	seq.s32 @!p0 s23, $0x0;
	s0 =	sand.u32 @!p0 $0x3800, s0  }
0x85: {  	s28 =	simm.s32 @!p0 $0x10000;
	_ =	swait.ge [sflag:s18], $0x1000;
	s0 =	sor.u32 @!p0 s5, s0  }
0x86: {  	s3 =	simm.s32 @!p0 $0x400;
	[sflag:s18] =	ssyncset.done $0x0;
	s0 =	sshrl.u32 @!p0 s0, $0x3  }
0x87: {  	s25 =	simm.s32 @!p0 $0x4000;
	[sflag:s18] =	ssyncadd.s32 $0xFFFFF000;
	s0 =	sadd.s32 @!p0 s1, s0  }
0x88: {  	[tilespmem:s28], [sflag:$0x1] =	stream.strided.gather @!p0 [hbm4b:s0+s3], $0x1000, s25, s3, $0x38;
	[tilespmem:$0x1A000] =	vst v63  }
0x89: {  	p0 =	por p0, !p1  }
0x8a: {  	s25 =	simm.s32 $0x0;
	_ =	swait.ge @p0 [sflag:s21], $0x4000  }
0x8b: {  	s31 =	sand.u32 $0x70, s25;
	s0 =	sand.u32 $0xC00, s25;
	[sflag:s21] =	ssyncset.done @p0 $0x0  }
0x8c: {  	s25 =	sor.u32 s31, s0;
	[sflag:s21] =	ssyncadd.s32 @p0 $0xFFFFC000  }
0x8d: {  	v0 =	vld [tilespmem:s25+$0x11000]  }
0x8e: {  	v1 =	vld [tilespmem:s25+$0x11080]  }
0x8f: {  	v2 =	vld [tilespmem:s25+$0x11100];
	_ =	sdelay $0x2  }
0x90: {  	v5 =	vld [tilespmem:s25+$0x11280]  }
0x91: {  	v6 =	vld [tilespmem:s25+$0x11200];
	v3 =	vand.u32 $0x7F, v0;
	v0 =	vshll.u32 v0, $0x2  }
0x92: {  	v4 =	vshll.u32 v1, $0x2;
	v7 =	vshll.u32 v2, $0x2;
	v0 =	vand.u32 $0xFFFFFE00, v0  }
0x93: {  	v8 =	vld [tilespmem:s25+$0x11300];
	v9 =	vor.u32 v3, v0;
	v0 =	vand.u32 $0x7F, v2;
	v2 =	vand.u32 $0xFFFFFE00, v7  }
0x94: {  	v1 =	vand.u32 $0x7F, v1;
	v4 =	vand.u32 $0xFFFFFE00, v4;
	v3 =	vor.u32 v0, v2  }
0x95: {  	v4 =	vor.u32 v1, v4;
	v1 =	vshll.u32 v5, $0x2;
	v0 =	vld [tilespmem:s25+$0x11380]  }
0x96: {  	v7 =	vshll.u32 v6, $0x2;
	v2 =	vand.u32 $0x7F, v5;
	v1 =	vand.u32 $0xFFFFFE00, v1  }
0x97: {  	v10 =	vld [tilespmem:s25+$0x11180];
	v6 =	vand.u32 $0x7F, v6;
	v5 =	vor.u32 v2, v1;
	v1 =	vand.u32 $0xFFFFFE00, v7  }
0x98: {  	v2 =	vshll.u32 v8, $0x2;
	v1 =	vor.u32 v6, v1;
	v7 =	vld.idx.msk [tilespmem:v9+s4+$0x0], $0xffff  }
0x99: {  	v12 =	vor.u32 $0x80, v9;
	v8 =	vand.u32 $0x7F, v8;
	v2 =	vand.u32 $0xFFFFFE00, v2;
	v11 =	vld.idx.msk [tilespmem:v3+s4+$0x0], $0xffff  }
0x9a: {  	v6 =	vshll.u32 v0, $0x2;
	v14 =	vand.u32 $0x7F, v0;
	v0 =	vor.u32 v8, v2  }
0x9b: {  	v13 =	vor.u32 $0x80, v3;
	v15 =	vld.idx.msk [tilespmem:v4+s4+$0x0], $0xffff  }
0x9c: {  	v16 =	vor.u32 $0x80, v4;
	v2 =	vshll.u32 v10, $0x2;
	v6 =	vand.u32 $0xFFFFFE00, v6;
	v8 =	vld.idx.msk [tilespmem:v5+s4+$0x0], $0xffff  }
0x9d: {  	v10 =	vand.u32 $0x7F, v10;
	v2 =	vand.u32 $0xFFFFFE00, v2;
	v6 =	vor.u32 v14, v6;
	v14 =	vld.idx.msk [tilespmem:v1+s4+$0x0], $0xffff;
	[tilespmem:s25+$0x16000] =	vst v7  }
0x9e: {  	v2 =	vor.u32 v10, v2;
	[tilespmem:s25+$0x16100] =	vst v11;
	v11 =	vld.idx.msk [tilespmem:v12+s4+$0x0], $0xffff  }
0x9f: {  	v7 =	vor.u32 $0x80, v5;
	v12 =	vld.idx.msk [tilespmem:v0+s4+$0x0], $0xffff  }
0xa0: {  	[tilespmem:s25+$0x16080] =	vst v15;
	v10 =	vld.idx.msk [tilespmem:v13+s4+$0x0], $0xffff;
	v13 =	vor.u32 $0x100, v9  }
0xa1: {  	v17 =	vor.u32 $0x80, v0;
	v16 =	vld.idx.msk [tilespmem:v16+s4+$0x0], $0xffff;
	[tilespmem:s25+$0x16280] =	vst v8  }
0xa2: {  	v8 =	vld.idx.msk [tilespmem:v6+s4+$0x0], $0xffff;
	[tilespmem:s25+$0x16200] =	vst v14;
	v14 =	vor.u32 $0x80, v1  }
0xa3: {  	v15 =	vor.u32 $0x80, v6;
	v18 =	vld.idx.msk [tilespmem:v2+s4+$0x0], $0xffff  }
0xa4: {  	v21 =	vor.u32 $0x100, v3;
	v7 =	vld.idx.msk [tilespmem:v7+s4+$0x0], $0xffff;
	[tilespmem:s25+$0x17000] =	vst v11  }
0xa5: {  	v11 =	vor.u32 $0x100, v4;
	[tilespmem:s25+$0x16300] =	vst v12;
	v20 =	vld.idx.msk [tilespmem:v13+s4+$0x0], $0xffff  }
0xa6: {  	v19 =	vor.u32 $0x100, v5;
	v17 =	vld.idx.msk [tilespmem:v17+s4+$0x0], $0xffff;
	[tilespmem:s25+$0x17100] =	vst v10  }
0xa7: {  	v10 =	vor.u32 $0x180, v9;
	[tilespmem:s25+$0x16380] =	vst v8;
	v12 =	vld.idx.msk [tilespmem:v14+s4+$0x0], $0xffff  }
0xa8: {  	[tilespmem:s25+$0x17080] =	vst v16;
	v14 =	vor.u32 $0x80, v2;
	v13 =	vld.idx.msk [tilespmem:v15+s4+$0x0], $0xffff  }
0xa9: {  	[tilespmem:s25+$0x16180] =	vst v18;
	v8 =	vld.idx.msk [tilespmem:v21+s4+$0x0], $0xffff;
	v15 =	vor.u32 $0x100, v6  }
0xaa: {  	[tilespmem:s25+$0x17280] =	vst v7;
	v11 =	vld.idx.msk [tilespmem:v11+s4+$0x0], $0xffff  }
0xab: {  	v9 =	vld.idx.msk [tilespmem:v19+s4+$0x0], $0xffff;
	[tilespmem:s25+$0x18000] =	vst v20  }
0xac: {  	s30 =	simm.s32 $0x4;
	s29 =	simm.s32 $0x400;
	s28 =	simm.s32 $0x0;
	v7 =	vor.u32 $0x100, v0;
	[tilespmem:s25+$0x17300] =	vst v17;
	v10 =	vld.idx.msk [tilespmem:v10+s4+$0x0], $0xffff  }
.LBB2_5:
0xad: {  	s0 =	sand.u32 $0x70, s30;
	s3 =	sand.u32 $0xC00, s29;
	s28 =	sadd.s32 $0x8, s28;
	v14 =	vld.idx.msk [tilespmem:v14+s4+$0x0], $0xffff;
	[tilespmem:s25+$0x17380] =	vst v13  }
0xae: {  	s0 =	sor.u32 s0, s3;
	p0 =	slt.u32 s28, $0xF8;
	[tilespmem:s25+$0x17200] =	vst v12;
	v12 =	vld.idx.msk [tilespmem:v15+s4+$0x0], $0xffff  }
0xaf: {  	v13 =	vld [tilespmem:s0+$0x11000];
	[tilespmem:s25+$0x18080] =	vst v11  }
0xb0: {  	v11 =	vld [tilespmem:s0+$0x11080];
	[tilespmem:s25+$0x18280] =	vst v9  }
0xb1: {  	v9 =	vld [tilespmem:s0+$0x11100];
	[tilespmem:s25+$0x18100] =	vst v8  }
0xb2: {  	v8 =	vld [tilespmem:s0+$0x11180];
	[tilespmem:s25+$0x19000] =	vst v10;
	v10 =	vor.u32 $0x180, v3;
	v3 =	vor.u32 $0x180, v6  }
0xb3: {  	v5 =	vor.u32 $0x180, v5;
	v15 =	vor.u32 $0x180, v4;
	v6 =	vld [tilespmem:s0+$0x11200];
	[tilespmem:s25+$0x17180] =	vst v14;
	v14 =	vor.u32 $0x100, v2  }
0xb4: {  	v17 =	vor.u32 $0x100, v1;
	v4 =	vand.u32 $0x7F, v13;
	v13 =	vshll.u32 v13, $0x2;
	v16 =	vld [tilespmem:s0+$0x11280];
	[tilespmem:s25+$0x18380] =	vst v12  }
0xb5: {  	v12 =	vand.u32 $0xFFFFFE00, v13;
	v13 =	vand.u32 $0x7F, v11;
	v11 =	vshll.u32 v11, $0x2;
	v18 =	vld [tilespmem:s0+$0x11300]  }
0xb6: {  	v12 =	vor.u32 v4, v12;
	v19 =	vand.u32 $0x7F, v9;
	v4 =	vshll.u32 v9, $0x2;
	v9 =	vld [tilespmem:s0+$0x11380]  }
0xb7: {  	v11 =	vand.u32 $0xFFFFFE00, v11;
	v20 =	vand.u32 $0xFFFFFE00, v4;
	v21 =	vshll.u32 v8, $0x2;
	v22 =	vld.idx.msk [tilespmem:v3+s4+$0x0], $0xffff  }
0xb8: {  	v4 =	vor.u32 v13, v11;
	v3 =	vor.u32 v19, v20;
	v11 =	vand.u32 $0xFFFFFE00, v21;
	v13 =	vld.idx.msk [tilespmem:v15+s4+$0x0], $0xffff  }
0xb9: {  	v8 =	vand.u32 $0x7F, v8;
	v15 =	vand.u32 $0x7F, v6;
	v19 =	vshll.u32 v16, $0x2;
	v20 =	vld.idx.msk [tilespmem:v5+s4+$0x0], $0xffff  }
0xba: {  	v5 =	vand.u32 $0x7F, v16;
	v16 =	vand.u32 $0xFFFFFE00, v19;
	v19 =	vshll.u32 v18, $0x2;
	v17 =	vld.idx.msk [tilespmem:v17+s4+$0x0], $0xffff  }
0xbb: {  	v8 =	vor.u32 v8, v11;
	v21 =	vld.idx.msk [tilespmem:v12+s4+$0x0], $0xffff;
	v5 =	vor.u32 v5, v16;
	v11 =	vand.u32 $0x7F, v9  }
0xbc: {  	v6 =	vshll.u32 v6, $0x2;
	v16 =	vand.u32 $0xFFFFFE00, v19;
	v9 =	vshll.u32 v9, $0x2;
	v14 =	vld.idx.msk [tilespmem:v14+s4+$0x0], $0xffff  }
0xbd: {  	v23 =	vor.u32 $0x180, v1;
	v6 =	vand.u32 $0xFFFFFE00, v6;
	v9 =	vand.u32 $0xFFFFFE00, v9;
	v19 =	vld.idx.msk [tilespmem:v3+s4+$0x0], $0xffff;
	[tilespmem:s25+$0x19380] =	vst v22  }
0xbe: {  	v1 =	vor.u32 v15, v6;
	v22 =	vor.u32 $0x80, v12;
	v24 =	vld.idx.msk [tilespmem:v4+s4+$0x0], $0xffff;
	[tilespmem:s25+$0x19080] =	vst v13  }
0xbf: {  	v13 =	vor.u32 $0x80, v3;
	v10 =	vld.idx.msk [tilespmem:v10+s4+$0x0], $0xffff;
	[tilespmem:s25+$0x19280] =	vst v20  }
0xc0: {  	v18 =	vand.u32 $0x7F, v18;
	v6 =	vor.u32 v11, v9;
	v15 =	vld.idx.msk [tilespmem:v5+s4+$0x0], $0xffff;
	[tilespmem:s25+$0x18200] =	vst v17  }
0xc1: {  	v9 =	vor.u32 v18, v16;
	[tilespmem:s0+$0x16000] =	vst v21;
	v7 =	vld.idx.msk [tilespmem:v7+s4+$0x0], $0xffff  }
0xc2: {  	v11 =	vor.u32 $0x80, v5;
	[tilespmem:s25+$0x18180] =	vst v14;
	v14 =	vld.idx.msk [tilespmem:v23+s4+$0x0], $0xffff  }
0xc3: {  	v16 =	vor.u32 $0x80, v4;
	[tilespmem:s0+$0x16100] =	vst v19;
	v17 =	vld.idx.msk [tilespmem:v1+s4+$0x0], $0xffff  }
0xc4: {  	v18 =	vld.idx.msk [tilespmem:v22+s4+$0x0], $0xffff;
	[tilespmem:s0+$0x16080] =	vst v24  }
0xc5: {  	v13 =	vld.idx.msk [tilespmem:v13+s4+$0x0], $0xffff;
	[tilespmem:s25+$0x19100] =	vst v10;
	v10 =	vor.u32 $0x180, v2;
	v2 =	vmov v8  }
0xc6: {  	v19 =	vor.u32 $0x180, v0;
	v0 =	vmov v9;
	v8 =	vor.u32 $0x100, v3;
	[tilespmem:s0+$0x16280] =	vst v15;
	v15 =	vld.idx.msk [tilespmem:v6+s4+$0x0], $0xffff  }
0xc7: {  	v9 =	vld.idx.msk [tilespmem:v9+s4+$0x0], $0xffff;
	[tilespmem:s25+$0x18300] =	vst v7  }
0xc8: {  	v20 =	vor.u32 $0x80, v0;
	v7 =	vor.u32 $0x100, v12;
	v11 =	vld.idx.msk [tilespmem:v11+s4+$0x0], $0xffff;
	[tilespmem:s25+$0x19200] =	vst v14  }
0xc9: {  	v14 =	vld.idx.msk [tilespmem:v16+s4+$0x0], $0xffff;
	[tilespmem:s0+$0x16200] =	vst v17;
	v16 =	vor.u32 $0x100, v5  }
0xca: {  	v17 =	vor.u32 $0x80, v6;
	[tilespmem:s0+$0x17000] =	vst v18;
	v10 =	vld.idx.msk [tilespmem:v10+s4+$0x0], $0xffff  }
0xcb: {  	v18 =	vor.u32 $0x80, v1;
	[tilespmem:s0+$0x17100] =	vst v13;
	v19 =	vld.idx.msk [tilespmem:v19+s4+$0x0], $0xffff  }
0xcc: {  	v21 =	vor.u32 $0x100, v4;
	v22 =	vld.idx.msk [tilespmem:v2+s4+$0x0], $0xffff;
	[tilespmem:s0+$0x16380] =	vst v15  }
0xcd: {  	v23 =	vld.idx.msk [tilespmem:v7+s4+$0x0], $0xffff;
	[tilespmem:s0+$0x16300] =	vst v9  }
0xce: {  	[tilespmem:s0+$0x17280] =	vst v11;
	v20 =	vld.idx.msk [tilespmem:v20+s4+$0x0], $0xffff  }
0xcf: {  	v24 =	vor.u32 $0x180, v12;
	v7 =	vor.u32 $0x100, v0;
	[tilespmem:s0+$0x17080] =	vst v14;
	v13 =	vld.idx.msk [tilespmem:v17+s4+$0x0], $0xffff  }
.Ltmp1:
0xd0: {  	v14 =	vor.u32 $0x80, v2;
	v12 =	vld.idx.msk [tilespmem:v18+s4+$0x0], $0xffff;
	[tilespmem:s25+$0x19180] =	vst v10;
	(pc) =	sbr.rel @p0 .LBB2_5-.Ltmp1, $4  }
0xd1: {  	v15 =	vor.u32 $0x100, v6;
	v11 =	vld.idx.msk [tilespmem:v21+s4+$0x0], $0xffff;
	[tilespmem:s25+$0x19300] =	vst v19;
	s25 =	smov.u32 s0  }
0xd2: {  	[tilespmem:s25+$0x16180] =	vst v22;
	v9 =	vld.idx.msk [tilespmem:v16+s4+$0x0], $0xffff  }
0xd3: {  	[tilespmem:s25+$0x18000] =	vst v23;
	v8 =	vld.idx.msk [tilespmem:v8+s4+$0x0], $0xffff  }
0xd4: {  	s29 =	sadd.s32 $0x400, s29;
	s30 =	sadd.s32 $0x4, s30;
	v10 =	vld.idx.msk [tilespmem:v24+s4+$0x0], $0xffff;
	[tilespmem:s25+$0x17300] =	vst v20  }
0xd5: {  	_ =	sdelay $0x2  }
0xd6: {  	v59 =	vor.u32 $0x100, v1  }
0xd7: {  	[tilespmem:s25+$0x17380] =	vst v13;
	v14 =	vld.idx.msk [tilespmem:v14+s4+$0x0], $0xffff;
	v4 =	vor.u32 $0x180, v4  }
0xd8: {  	v16 =	vor.u32 $0x100, v2;
	[tilespmem:s25+$0x17200] =	vst v12  }
0xd9: {  	v5 =	vor.u32 $0x180, v5;
	v7 =	vld.idx.msk [tilespmem:v7+s4+$0x0], $0xffff;
	[tilespmem:s25+$0x18080] =	vst v11  }
0xda: {  	v3 =	vor.u32 $0x180, v3;
	v13 =	vld.idx.msk [tilespmem:v15+s4+$0x0], $0xffff;
	[tilespmem:s25+$0x18280] =	vst v9  }
0xdb: {  	v0 =	vor.u32 $0x180, v0;
	[tilespmem:s25+$0x18100] =	vst v8;
	v60 =	vld.idx.msk [tilespmem:v59+s4+$0x0], $0xffff  }
0xdc: {  	v6 =	vor.u32 $0x180, v6;
	[tilespmem:s25+$0x17180] =	vst v14;
	v4 =	vld.idx.msk [tilespmem:v4+s4+$0x0], $0xffff  }
0xdd: {  	v62 =	vor.u32 $0x180, v1;
	[tilespmem:s25+$0x19000] =	vst v10;
	v61 =	vld.idx.msk [tilespmem:v16+s4+$0x0], $0xffff  }
0xde: {  	v63 =	vor.u32 $0x180, v2;
	v5 =	vld.idx.msk [tilespmem:v5+s4+$0x0], $0xffff;
	[tilespmem:s25+$0x18300] =	vst v7  }
0xdf: {  	v3 =	vld.idx.msk [tilespmem:v3+s4+$0x0], $0xffff;
	[tilespmem:s25+$0x18380] =	vst v13  }
0xe0: {  	v0 =	vld.idx.msk [tilespmem:v0+s4+$0x0], $0xffff;
	[tilespmem:s25+$0x18200] =	vst v60  }
0xe1: {  	v6 =	vld.idx.msk [tilespmem:v6+s4+$0x0], $0xffff;
	[tilespmem:s25+$0x19080] =	vst v4  }
0xe2: {  	[tilespmem:s25+$0x18180] =	vst v61;
	v1 =	vld.idx.msk [tilespmem:v62+s4+$0x0], $0xffff  }
0xe3: {  	s23 =	sadd.s32 $0x1, s23;
	[tilespmem:s25+$0x19280] =	vst v5;
	v2 =	vld.idx.msk [tilespmem:v63+s4+$0x0], $0xffff  }
0xe4: {  	p0 =	sne.s32 s23, $0x20;
	[tilespmem:s25+$0x19100] =	vst v3  }
.Ltmp2:
0xe5: {  	s0 =	sor.u32 s8, s24;
	[tilespmem:s25+$0x19300] =	vst v0;
	(pc) =	sbr.rel @p0 .LBB2_2-.Ltmp2, $4  }
0xe6: {  	s0 =	sor.u32 s26, s0;
	[tilespmem:s25+$0x19380] =	vst v6  }
0xe7: {  	s0 =	sshrl.u32 s0, $0x3;
	[tilespmem:s25+$0x19200] =	vst v1  }
0xe8: {  	s0 =	sadd.s32 s2, s0;
	[tilespmem:s25+$0x19180] =	vst v2  }
0xe9: {  	[hbm4b:s0+s11] =	stream.strided.scatter [tilespmem:s19], [sflag:$0x4], $0x4000, s12, s11, $0x38;
	[tilespmem:$0x1A000] =	vst v63  }
0xea: {  	s22 =	sadd.s32 $0x1, s22  }
0xeb: {  	_ =	swait.ge [sflag:s20], $0x4000;
	p0 =	sne.s32 s22, s10  }
.Ltmp3:
0xec: {  	[sflag:s20] =	ssyncset.done $0x0;
	(pc) =	sbr.rel @p0 .LBB2_1-.Ltmp3, $4  }
0xed: {  	[sflag:s20] =	ssyncadd.s32 $0xFFFFC000  }
0xee: {  	_ =	swait.ge [sflag:s21], $0x4000  }
0xef: {  	[sflag:s21] =	ssyncset.done $0x0  }
0xf0: {  	[sflag:s21] =	ssyncadd.s32 $0xFFFFC000  }
0xf1: {  	_ =	sfence.sel $0x180000  }
0xf2: {  	[bflag:$0x0] =	sbarrier.arrive $0xFFFF  }
0xf3: {  	_ =	strace $0x90000047  }
0xf4: {  	s0 =	stileid.u32;
	[bflag:$0x2] =	sbarrier.arrive $0xFFFF  }
0xf5: {  	p0 =	sne.s32 s0, $0x0;
	s0 =	rddreg [dreg:$0x3]  }
0xf6: {  	s0 =	sadd.s32 @!p0 $0x100000, s0  }
0xf7: {  	[sflag:s0] =	ssyncadd.tile.s32 @!p0 $0x1;
	_ =	shalt  }
.Lfunc_end2:
_tile_overlayer_lowered:
.L_overlay_start_2:
0xf8: {  	(tag) =	ssettag $0x2  }
0xf9: {  	s0 =	rddreg [dreg:$0x0];
	s2 =	stileid.u32  }
0xfa: {  	s1 =	rddreg [dreg:$0x1];
	p0 =	sne.s32 s2, $0x0  }
0xfb: {  	s3 =	rddreg [dreg:$0x2];
	[bflag:$0x3] =	sbarrier.arrive $0xFFFF;
	s2 =	simm.s32 @!p0 $0x1C06  }
0xfc: {  	[timem:s3], [sflag:s2] =	dma.local @!p0 [hbm:s0], s1  }
0xfd: {  	s0 =	simm.s32 @!p0 $0x6  }
0xfe: {  	_ =	swait.ge @!p0 [sflag:s0], s1  }
0xff: {  	s1 =	ssub.s32 @!p0 $0x0, s1;
	[sflag:s0] =	ssyncset.done @!p0 $0x0  }
0x100: {  	[sflag:s0] =	ssyncadd.s32 @!p0 s1  }
0x101: {  	[bflag:$0x3] =	sbarrier.arrive $0xFFFF  }
0x102: {  	_ =	shalt  }

</sc_bundles>
